<compile_context>
chip_gen: v7x
topology: tpu7x:2x2x1
jax: 0.10.2.dev20260603
libtpu: 0.0.44.dev20260713+nightly
codegen_flags: <defaults>
</compile_context>

<pallas_src>
import functools

import jax
import jax.numpy as jnp
from jax import lax
from jax.experimental import pallas as pl
from jax.experimental.pallas import tpu as pltpu
from jax.experimental.pallas import tpu_sc as plsc

D = 128
B = 16
L = 2048
R = 4
CL = 4 * L + 1
TOTAL = B * L

TC_TILE = 512
N_TILES = TOTAL // TC_TILE
ZERO_ROW = TOTAL
EMPTY_ROW = TOTAL + 1
YPAD_ROWS = (N_TILES + 1) * TC_TILE

CHUNK = 128


def _tc_body(x_ref, w_ref, b_ref, emp_ref, bm_ref, y_ref, mask_ref, pmask_ref):
    i = pl.program_id(0)

    @pl.when(i < N_TILES)
    def _compute():
        acc = jnp.dot(x_ref[...], w_ref[...], preferred_element_type=jnp.float32)
        y_ref[...] = jnp.maximum(acc + b_ref[...], 0.0)

    @pl.when(i == N_TILES)
    def _special_rows():
        rows = lax.broadcasted_iota(jnp.int32, (TC_TILE, D), 0)
        emp = jnp.broadcast_to(emp_ref[...], (TC_TILE, D))
        y_ref[...] = jnp.where(rows == 1, emp, 0.0)

    @pl.when(i == 0)
    def _masks():
        bm = bm_ref[...]
        cnt = jnp.sum(bm.astype(jnp.int32), axis=1, keepdims=True)
        this_empty = cnt == 0
        mask = jnp.concatenate([bm, this_empty], axis=1)
        mask_ref[...] = mask
        pmask_ref[...] = jnp.logical_not(mask)


def _tc_stage(x, W, b2, emp2, bm4):
    return pl.pallas_call(
        _tc_body,
        grid=(N_TILES + 1,),
        in_specs=[
            pl.BlockSpec((TC_TILE, D), lambda i: (jnp.minimum(i, N_TILES - 1), 0)),
            pl.BlockSpec((D, D), lambda i: (0, 0)),
            pl.BlockSpec((1, D), lambda i: (0, 0)),
            pl.BlockSpec((1, D), lambda i: (0, 0)),
            pl.BlockSpec((R, 4 * L), lambda i: (0, 0)),
        ],
        out_specs=[
            pl.BlockSpec((TC_TILE, D), lambda i: (i, 0)),
            pl.BlockSpec((R, CL), lambda i: (0, 0)),
            pl.BlockSpec((R, CL), lambda i: (0, 0)),
        ],
        out_shape=[
            jax.ShapeDtypeStruct((YPAD_ROWS, D), jnp.float32),
            jax.ShapeDtypeStruct((R, CL), jnp.bool_),
            jax.ShapeDtypeStruct((R, CL), jnp.bool_),
        ],
    )(x, W, b2, emp2, bm4)


def _sc_scatter(y_pad, lens, offs):
    nc = 2
    mesh = plsc.VectorSubcoreMesh(core_axis_name="c", subcore_axis_name="s")

    half = L // 2
    n_chunks = half // CHUNK

    @functools.partial(
        pl.kernel,
        out_type=jax.ShapeDtypeStruct((R, CL, D), jnp.float32),
        mesh=mesh,
        compiler_params=pltpu.CompilerParams(needs_layout_passes=False),
        scratch_types=[
            pltpu.VMEM((16,), jnp.int32),
            pltpu.VMEM((16,), jnp.int32),
            pltpu.VMEM((CHUNK,), jnp.int32),
            pltpu.VMEM((CHUNK, D), jnp.float32),
            pltpu.VMEM((1, D), jnp.float32),
            pltpu.SemaphoreType.DMA,
        ],
    )
    def sc_kernel(y_hbm, lens_hbm, offs_hbm, out_hbm,
                  lens_v, offs_v, idx_v, rows_v, emp_v, sem):
        wid = lax.axis_index("s") * nc + lax.axis_index("c")
        m = wid // 2
        h = wid % 2
        r = m // 4
        q = m % 4
        col0 = q * L + h * half

        pltpu.sync_copy(lens_hbm, lens_v)
        pltpu.sync_copy(offs_hbm, offs_v)
        lane = lax.iota(jnp.int32, 16)
        sel = lane == m
        zero16 = jnp.zeros((16,), jnp.int32)
        len_m = jnp.sum(jnp.where(sel, lens_v[...], zero16))
        off_m = jnp.sum(jnp.where(sel, offs_v[...], zero16))

        for k in range(n_chunks):
            p0 = h * half + k * CHUNK
            for g in range(CHUNK // 16):
                p_vec = p0 + g * 16 + lane
                valid = p_vec < len_m
                idx_v[pl.ds(g * 16, 16)] = jnp.where(
                    valid, off_m + p_vec, ZERO_ROW)
            pltpu.async_copy(y_hbm.at[idx_v], rows_v, sem).wait()
            pltpu.sync_copy(rows_v, out_hbm.at[r, pl.ds(col0 + k * CHUNK, CHUNK)])

        @pl.when(wid < R)
        def _empty_col():
            pltpu.sync_copy(y_hbm.at[pl.ds(EMPTY_ROW, 1)], emp_v)
            pltpu.sync_copy(emp_v, out_hbm.at[wid, pl.ds(4 * L, 1)])

    return sc_kernel(y_pad, lens, offs)


def kernel(x, batch_mask, W, b, empty_mol):
    lens = jnp.sum(batch_mask.astype(jnp.int32), axis=1)
    offs = jnp.cumsum(lens) - lens
    bm4 = batch_mask.reshape(R, 4 * L)
    y_pad, mask, padding_mask = _tc_stage(
        x, W, b.reshape(1, D), empty_mol.reshape(1, D), bm4)
    emb = _sc_scatter(y_pad, lens, offs)
    return emb, mask, padding_mask

# --- scband reference (transcript-rebuilt; emitter-appended) ---
"""Pipeline reference for scband-cncondition-encoder-10264971838162 (READ-ONLY COPY).

The authoritative reference and input builder live on the scoring server;
editing this copy changes nothing except your own understanding.
"""

import jax, jax.numpy as jnp
import numpy as np

GNN_DIM = 128
B = 16
L = 2048
# Per-molecule node counts (16 molecules = 4 reactions x [ligand, base, additive, catalyst]).
# Reaction 3 (last 4 molecules) is fully empty to exercise the empty-mol branch.
LENGTHS = np.array([1500, 1200, 1400, 1300,
                    1600, 1100, 1450, 1350,
                    1500, 1250, 1400, 1334,
                    0, 0, 0, 0], dtype=np.int32)
TOTAL = int(LENGTHS.sum())  # 16384


def setup_inputs(seed: int = 0) -> dict:
    key = jax.random.key(seed)
    k1, k2, k3 = jax.random.split(key, 3)
    x = jax.random.normal(k1, (TOTAL, GNN_DIM), dtype=jnp.float32)
    batch_mask = jnp.asarray(np.arange(L)[None, :] < LENGTHS[:, None])  # bool [B, L]
    # GNN modeled as node-wise linear + relu (learned params of the gnn submodule)
    W = jax.random.normal(k2, (GNN_DIM, GNN_DIM), dtype=jnp.float32) * 0.05
    b = jnp.zeros((GNN_DIM,), dtype=jnp.float32)
    empty_mol = jax.random.normal(k3, (GNN_DIM,), dtype=jnp.float32)
    return {"x": x, "batch_mask": batch_mask, "W": W, "b": b, "empty_mol": empty_mol}


def graph2batch(flat, mask):
    # scatter flat per-node features [total, d] into padded [B, L, d] at masked positions
    bidx, pidx = jnp.nonzero(mask, size=flat.shape[0])
    out = jnp.zeros((mask.shape[0], mask.shape[1], flat.shape[-1]), flat.dtype)
    return out.at[bidx, pidx].set(flat)


def reference(x, batch_mask, W, b, empty_mol):
    # self.gnn(shared_gnn): node-wise MLP over flat node features
    node_feat = jax.nn.relu(x @ W + b)
    node_feat = graph2batch(node_feat, batch_mask)  # [B, L, d]
    # mode == 'mix-all': interleaved slices [idx::4] for ligand/base/additive/catalyst
    embs = [node_feat[i::4] for i in range(4)]      # each [B//4, L, d]
    masks = [batch_mask[i::4] for i in range(4)]    # each [B//4, L]
    emb = jnp.concatenate(embs, axis=1)             # [B//4, 4L, d]
    mask = jnp.concatenate(masks, axis=1)           # [B//4, 4L]
    this_empty = jnp.logical_not(jnp.any(mask, axis=1))
    mask = jnp.concatenate([mask, this_empty[:, None]], axis=1)
    emb = jnp.concatenate(
        [emb, jnp.broadcast_to(empty_mol, (this_empty.shape[0], 1, GNN_DIM))], axis=1)
    padding_mask = jnp.logical_not(mask)
    return emb, mask, padding_mask

if __name__ == "__main__":
    import jax
    _d = setup_inputs()
    print(jax.jit(kernel)(*tuple(_d.values())))

</pallas_src>

<mosaic_0001>
#map = affine_map<(d0, d1) -> (0, 0)>
#map1 = affine_map<(d0, d1) -> (0)>
#map2 = affine_map<(d0, d1) -> (0, 0, 0)>
module attributes {stable_mosaic.version = 14 : i64} {
  func.func @sc_kernel(%arg0: i32, %arg1: i32, %arg2: memref<33280x128xf32, #tpu.memory_space<hbm>>, %arg3: memref<16xi32, #tpu.memory_space<hbm>>, %arg4: memref<16xi32, #tpu.memory_space<hbm>>, %arg5: memref<4x8193x128xf32, #tpu.memory_space<hbm>>, %arg6: memref<16xi32, #tpu.memory_space<vmem>>, %arg7: memref<16xi32, #tpu.memory_space<vmem>>, %arg8: memref<128xi32, #tpu.memory_space<vmem>>, %arg9: memref<128x128xf32, #tpu.memory_space<vmem>>, %arg10: memref<1x128xf32, #tpu.memory_space<vmem>>, %arg11: memref<!tpu.dma_semaphore, #tpu.memory_space<semaphore_mem>>) attributes {dimension_semantics = [#tpu.dimension_semantics<core_parallel>, #tpu.dimension_semantics<subcore_parallel>], iteration_bounds = array<i64: 2, 16>, scalar_prefetch = 0 : i64, scratch_operands = 6 : i64, tpu.core_type = #tpu.core_type<sc_vector_subcore>, window_params = [{transform_indices = #map}, {transform_indices = #map1}, {transform_indices = #map1}, {transform_indices = #map2}]} {
    %mul3A = arith.constant 2 : i32
    %mul3A_0 = arith.muli %arg1, %mul3A : i32
    %add3A = arith.addi %mul3A_0, %arg0 : i32
    %jit3A = arith.constant 2 : i32
    %div3A = arith.divsi %add3A, %jit3A : i32
    %sign3A = arith.constant 0 : i32
    %sign3A_1 = arith.cmpi sgt, %add3A, %sign3A : i32
    %sign3A_2 = arith.extui %sign3A_1 : i1 to i32
    %sign3A_3 = arith.constant 0 : i32
    %sign3A_4 = arith.cmpi slt, %add3A, %sign3A_3 : i32
    %sign3A_5 = arith.extui %sign3A_4 : i1 to i32
    %sign3A_6 = arith.subi %sign3A_2, %sign3A_5 : i32
    %sign3A_7 = arith.constant 0 : i32
    %sign3A_8 = arith.cmpi sgt, %jit3A, %sign3A_7 : i32
    %sign3A_9 = arith.extui %sign3A_8 : i1 to i32
    %sign3A_10 = arith.constant 0 : i32
    %sign3A_11 = arith.cmpi slt, %jit3A, %sign3A_10 : i32
    %sign3A_12 = arith.extui %sign3A_11 : i1 to i32
    %sign3A_13 = arith.subi %sign3A_9, %sign3A_12 : i32
    %ne3A = arith.cmpi ne, %sign3A_6, %sign3A_13 : i32
    %rem3A = arith.remsi %add3A, %jit3A : i32
    %ne3A_14 = arith.constant 0 : i32
    %ne3A_15 = arith.cmpi ne, %rem3A, %ne3A_14 : i32
    %and3A = arith.andi %ne3A, %ne3A_15 : i1
    %sub3A = arith.constant 1 : i32
    %sub3A_16 = arith.subi %div3A, %sub3A : i32
    %select_n3A = arith.select %and3A, %sub3A_16, %div3A : i32
    %jit3A_17 = arith.constant 2 : i32
    %eq3A = arith.constant 0 : i32
    %eq3A_18 = arith.cmpi eq, %jit3A_17, %eq3A : i32
    %jit3A_19 = arith.constant 1 : i32
    %select_n3A_20 = arith.select %eq3A_18, %jit3A_19, %jit3A_17 : i32
    %rem3A_21 = arith.remsi %add3A, %select_n3A_20 : i32
    %ne3A_22 = arith.constant 0 : i32
    %ne3A_23 = arith.cmpi ne, %rem3A_21, %ne3A_22 : i32
    %lt3A = arith.constant 0 : i32
    %lt3A_24 = arith.cmpi slt, %rem3A_21, %lt3A : i32
    %lt3A_25 = arith.constant 0 : i32
    %lt3A_26 = arith.cmpi slt, %select_n3A_20, %lt3A_25 : i32
    %ne3A_27 = arith.xori %lt3A_24, %lt3A_26 : i1
    %and3A_28 = arith.andi %ne3A_27, %ne3A_23 : i1
    %add3A_29 = arith.addi %rem3A_21, %select_n3A_20 : i32
    %select_n3A_30 = arith.select %and3A_28, %add3A_29, %rem3A_21 : i32
    %jit3A_31 = arith.constant 4 : i32
    %div3A_32 = arith.divsi %select_n3A, %jit3A_31 : i32
    %sign3A_33 = arith.constant 0 : i32
    %sign3A_34 = arith.cmpi sgt, %select_n3A, %sign3A_33 : i32
    %sign3A_35 = arith.extui %sign3A_34 : i1 to i32
    %sign3A_36 = arith.constant 0 : i32
    %sign3A_37 = arith.cmpi slt, %select_n3A, %sign3A_36 : i32
    %sign3A_38 = arith.extui %sign3A_37 : i1 to i32
    %sign3A_39 = arith.subi %sign3A_35, %sign3A_38 : i32
    %sign3A_40 = arith.constant 0 : i32
    %sign3A_41 = arith.cmpi sgt, %jit3A_31, %sign3A_40 : i32
    %sign3A_42 = arith.extui %sign3A_41 : i1 to i32
    %sign3A_43 = arith.constant 0 : i32
    %sign3A_44 = arith.cmpi slt, %jit3A_31, %sign3A_43 : i32
    %sign3A_45 = arith.extui %sign3A_44 : i1 to i32
    %sign3A_46 = arith.subi %sign3A_42, %sign3A_45 : i32
    %ne3A_47 = arith.cmpi ne, %sign3A_39, %sign3A_46 : i32
    %rem3A_48 = arith.remsi %select_n3A, %jit3A_31 : i32
    %ne3A_49 = arith.constant 0 : i32
    %ne3A_50 = arith.cmpi ne, %rem3A_48, %ne3A_49 : i32
    %and3A_51 = arith.andi %ne3A_47, %ne3A_50 : i1
    %sub3A_52 = arith.constant 1 : i32
    %sub3A_53 = arith.subi %div3A_32, %sub3A_52 : i32
    %select_n3A_54 = arith.select %and3A_51, %sub3A_53, %div3A_32 : i32
    %jit3A_55 = arith.constant 4 : i32
    %eq3A_56 = arith.constant 0 : i32
    %eq3A_57 = arith.cmpi eq, %jit3A_55, %eq3A_56 : i32
    %jit3A_58 = arith.constant 1 : i32
    %select_n3A_59 = arith.select %eq3A_57, %jit3A_58, %jit3A_55 : i32
    %rem3A_60 = arith.remsi %select_n3A, %select_n3A_59 : i32
    %ne3A_61 = arith.constant 0 : i32
    %ne3A_62 = arith.cmpi ne, %rem3A_60, %ne3A_61 : i32
    %lt3A_63 = arith.constant 0 : i32
    %lt3A_64 = arith.cmpi slt, %rem3A_60, %lt3A_63 : i32
    %lt3A_65 = arith.constant 0 : i32
    %lt3A_66 = arith.cmpi slt, %select_n3A_59, %lt3A_65 : i32
    %ne3A_67 = arith.xori %lt3A_64, %lt3A_66 : i1
    %and3A_68 = arith.andi %ne3A_67, %ne3A_62 : i1
    %add3A_69 = arith.addi %rem3A_60, %select_n3A_59 : i32
    %select_n3A_70 = arith.select %and3A_68, %add3A_69, %rem3A_60 : i32
    %mul3A_71 = arith.constant 2048 : i32
    %mul3A_72 = arith.muli %select_n3A_70, %mul3A_71 : i32
    %mul3A_73 = arith.constant 1024 : i32
    %mul3A_74 = arith.muli %select_n3A_30, %mul3A_73 : i32
    %add3A_75 = arith.addi %mul3A_72, %mul3A_74 : i32
    "tpu.region"() ({
      %run_scoped3A = tpu.sem_alloc : memref<!tpu.dma_semaphore, #tpu.memory_space<semaphore_mem>>
      tpu.enqueue_dma source(%arg3 : memref<16xi32, #tpu.memory_space<hbm>>) target(%arg6 : memref<16xi32, #tpu.memory_space<vmem>>) target_semaphore(%run_scoped3A : memref<!tpu.dma_semaphore, #tpu.memory_space<semaphore_mem>>)
      tpu.wait_dma2 semaphore(%run_scoped3A : memref<!tpu.dma_semaphore, #tpu.memory_space<semaphore_mem>>) src(%arg3 : memref<16xi32, #tpu.memory_space<hbm>>) dst(%arg6 : memref<16xi32, #tpu.memory_space<vmem>>)
      tpu.yield
    }) : () -> ()
    "tpu.region"() ({
      %run_scoped3A = tpu.sem_alloc : memref<!tpu.dma_semaphore, #tpu.memory_space<semaphore_mem>>
      tpu.enqueue_dma source(%arg4 : memref<16xi32, #tpu.memory_space<hbm>>) target(%arg7 : memref<16xi32, #tpu.memory_space<vmem>>) target_semaphore(%run_scoped3A : memref<!tpu.dma_semaphore, #tpu.memory_space<semaphore_mem>>)
      tpu.wait_dma2 semaphore(%run_scoped3A : memref<!tpu.dma_semaphore, #tpu.memory_space<semaphore_mem>>) src(%arg4 : memref<16xi32, #tpu.memory_space<hbm>>) dst(%arg7 : memref<16xi32, #tpu.memory_space<vmem>>)
      tpu.yield
    }) : () -> ()
    %iota3A = tpu.iota {dimensions = array<i32: 0>} : vector<16xi32>
    %eq3A_76 = vector.broadcast %select_n3A : i32 to vector<16xi32>
    %eq3A_77 = arith.cmpi eq, %iota3A, %eq3A_76 : vector<16xi32>
    %broadcast_in_dim3A = arith.constant 0 : i32
    %broadcast_in_dim3A_78 = vector.broadcast %broadcast_in_dim3A : i32 to vector<16xi32>
    %get3A = arith.constant 0 : index
    %get3A_79 = tpu.vector_load %arg6[%get3A] {strides = array<i32>} : memref<16xi32, #tpu.memory_space<vmem>>, vector<16xi32>,
    %select_n3A_80 = arith.select %eq3A_77, %get3A_79, %broadcast_in_dim3A_78 : vector<16xi1>, vector<16xi32>
    %reduce_sum3A = arith.constant true
    %reduce_sum3A_81 = vector.broadcast %reduce_sum3A : i1 to vector<16xi1>
    %reduce_sum3A_82 = tpu.scan <sum>, %select_n3A_80 masked %reduce_sum3A_81 : vector<16xi32>, vector<16xi1> -> vector<16xi32>
    %reduce_sum3A_83 = vector.extract %reduce_sum3A_82[15] : i32 from vector<16xi32>
    %get3A_84 = arith.constant 0 : index
    %get3A_85 = tpu.vector_load %arg7[%get3A_84] {strides = array<i32>} : memref<16xi32, #tpu.memory_space<vmem>>, vector<16xi32>,
    %select_n3A_86 = arith.select %eq3A_77, %get3A_85, %broadcast_in_dim3A_78 : vector<16xi1>, vector<16xi32>
    %reduce_sum3A_87 = arith.constant true
    %reduce_sum3A_88 = vector.broadcast %reduce_sum3A_87 : i1 to vector<16xi1>
    %reduce_sum3A_89 = tpu.scan <sum>, %select_n3A_86 masked %reduce_sum3A_88 : vector<16xi32>, vector<16xi1> -> vector<16xi32>
    %reduce_sum3A_90 = vector.extract %reduce_sum3A_89[15] : i32 from vector<16xi32>
    %mul3A_91 = arith.constant 1024 : i32
    %mul3A_92 = arith.muli %select_n3A_30, %mul3A_91 : i32
    %add3A_93 = arith.constant 0 : i32
    %add3A_94 = arith.addi %mul3A_92, %add3A_93 : i32
    %add3A_95 = arith.constant 0 : i32
    %add3A_96 = arith.addi %add3A_94, %add3A_95 : i32
    %add3A_97 = vector.broadcast %add3A_96 : i32 to vector<16xi32>
    %add3A_98 = arith.addi %add3A_97, %iota3A : vector<16xi32>
    %lt3A_99 = vector.broadcast %reduce_sum3A_83 : i32 to vector<16xi32>
    %lt3A_100 = arith.cmpi slt, %add3A_98, %lt3A_99 : vector<16xi32>
    %add3A_101 = vector.broadcast %reduce_sum3A_90 : i32 to vector<16xi32>
    %add3A_102 = arith.addi %add3A_101, %add3A_98 : vector<16xi32>
    %jit3A_103 = arith.constant 32768 : i32
    %broadcast_in_dim3A_104 = vector.broadcast %jit3A_103 : i32 to vector<16xi32>
    %select_n3A_105 = arith.select %lt3A_100, %add3A_102, %broadcast_in_dim3A_104 : vector<16xi1>, vector<16xi32>
    %swap3A = arith.constant 0 : index
    %swap3A_106 = tpu.vector_load %arg8[%swap3A] {strides = array<i32>} : memref<128xi32, #tpu.memory_space<vmem>>, vector<16xi32>,
    tpu.vector_store %arg8[%swap3A], %select_n3A_105 {strides = array<i32>} : memref<128xi32, #tpu.memory_space<vmem>>, vector<16xi32>,
    %add3A_107 = arith.constant 16 : i32
    %add3A_108 = arith.addi %add3A_94, %add3A_107 : i32
    %add3A_109 = vector.broadcast %add3A_108 : i32 to vector<16xi32>
    %add3A_110 = arith.addi %add3A_109, %iota3A : vector<16xi32>
    %lt3A_111 = vector.broadcast %reduce_sum3A_83 : i32 to vector<16xi32>
    %lt3A_112 = arith.cmpi slt, %add3A_110, %lt3A_111 : vector<16xi32>
    %add3A_113 = vector.broadcast %reduce_sum3A_90 : i32 to vector<16xi32>
    %add3A_114 = arith.addi %add3A_113, %add3A_110 : vector<16xi32>
    %jit3A_115 = arith.constant 32768 : i32
    %broadcast_in_dim3A_116 = vector.broadcast %jit3A_115 : i32 to vector<16xi32>
    %select_n3A_117 = arith.select %lt3A_112, %add3A_114, %broadcast_in_dim3A_116 : vector<16xi1>, vector<16xi32>
    %swap3A_118 = arith.constant 16 : index
    %swap3A_119 = tpu.vector_load %arg8[%swap3A_118] {strides = array<i32>} : memref<128xi32, #tpu.memory_space<vmem>>, vector<16xi32>,
    tpu.vector_store %arg8[%swap3A_118], %select_n3A_117 {strides = array<i32>} : memref<128xi32, #tpu.memory_space<vmem>>, vector<16xi32>,
    %add3A_120 = arith.constant 32 : i32
    %add3A_121 = arith.addi %add3A_94, %add3A_120 : i32
    %add3A_122 = vector.broadcast %add3A_121 : i32 to vector<16xi32>
    %add3A_123 = arith.addi %add3A_122, %iota3A : vector<16xi32>
    %lt3A_124 = vector.broadcast %reduce_sum3A_83 : i32 to vector<16xi32>
    %lt3A_125 = arith.cmpi slt, %add3A_123, %lt3A_124 : vector<16xi32>
    %add3A_126 = vector.broadcast %reduce_sum3A_90 : i32 to vector<16xi32>
    %add3A_127 = arith.addi %add3A_126, %add3A_123 : vector<16xi32>
    %jit3A_128 = arith.constant 32768 : i32
    %broadcast_in_dim3A_129 = vector.broadcast %jit3A_128 : i32 to vector<16xi32>
    %select_n3A_130 = arith.select %lt3A_125, %add3A_127, %broadcast_in_dim3A_129 : vector<16xi1>, vector<16xi32>
    %swap3A_131 = arith.constant 32 : index
    %swap3A_132 = tpu.vector_load %arg8[%swap3A_131] {strides = array<i32>} : memref<128xi32, #tpu.memory_space<vmem>>, vector<16xi32>,
    tpu.vector_store %arg8[%swap3A_131], %select_n3A_130 {strides = array<i32>} : memref<128xi32, #tpu.memory_space<vmem>>, vector<16xi32>,
    %add3A_133 = arith.constant 48 : i32
    %add3A_134 = arith.addi %add3A_94, %add3A_133 : i32
    %add3A_135 = vector.broadcast %add3A_134 : i32 to vector<16xi32>
    %add3A_136 = arith.addi %add3A_135, %iota3A : vector<16xi32>
    %lt3A_137 = vector.broadcast %reduce_sum3A_83 : i32 to vector<16xi32>
    %lt3A_138 = arith.cmpi slt, %add3A_136, %lt3A_137 : vector<16xi32>
    %add3A_139 = vector.broadcast %reduce_sum3A_90 : i32 to vector<16xi32>
    %add3A_140 = arith.addi %add3A_139, %add3A_136 : vector<16xi32>
    %jit3A_141 = arith.constant 32768 : i32
    %broadcast_in_dim3A_142 = vector.broadcast %jit3A_141 : i32 to vector<16xi32>
    %select_n3A_143 = arith.select %lt3A_138, %add3A_140, %broadcast_in_dim3A_142 : vector<16xi1>, vector<16xi32>
    %swap3A_144 = arith.constant 48 : index
    %swap3A_145 = tpu.vector_load %arg8[%swap3A_144] {strides = array<i32>} : memref<128xi32, #tpu.memory_space<vmem>>, vector<16xi32>,
    tpu.vector_store %arg8[%swap3A_144], %select_n3A_143 {strides = array<i32>} : memref<128xi32, #tpu.memory_space<vmem>>, vector<16xi32>,
    %add3A_146 = arith.constant 64 : i32
    %add3A_147 = arith.addi %add3A_94, %add3A_146 : i32
    %add3A_148 = vector.broadcast %add3A_147 : i32 to vector<16xi32>
    %add3A_149 = arith.addi %add3A_148, %iota3A : vector<16xi32>
    %lt3A_150 = vector.broadcast %reduce_sum3A_83 : i32 to vector<16xi32>
    %lt3A_151 = arith.cmpi slt, %add3A_149, %lt3A_150 : vector<16xi32>
    %add3A_152 = vector.broadcast %reduce_sum3A_90 : i32 to vector<16xi32>
    %add3A_153 = arith.addi %add3A_152, %add3A_149 : vector<16xi32>
    %jit3A_154 = arith.constant 32768 : i32
    %broadcast_in_dim3A_155 = vector.broadcast %jit3A_154 : i32 to vector<16xi32>
    %select_n3A_156 = arith.select %lt3A_151, %add3A_153, %broadcast_in_dim3A_155 : vector<16xi1>, vector<16xi32>
    %swap3A_157 = arith.constant 64 : index
    %swap3A_158 = tpu.vector_load %arg8[%swap3A_157] {strides = array<i32>} : memref<128xi32, #tpu.memory_space<vmem>>, vector<16xi32>,
    tpu.vector_store %arg8[%swap3A_157], %select_n3A_156 {strides = array<i32>} : memref<128xi32, #tpu.memory_space<vmem>>, vector<16xi32>,
    %add3A_159 = arith.constant 80 : i32
    %add3A_160 = arith.addi %add3A_94, %add3A_159 : i32
    %add3A_161 = vector.broadcast %add3A_160 : i32 to vector<16xi32>
    %add3A_162 = arith.addi %add3A_161, %iota3A : vector<16xi32>
    %lt3A_163 = vector.broadcast %reduce_sum3A_83 : i32 to vector<16xi32>
    %lt3A_164 = arith.cmpi slt, %add3A_162, %lt3A_163 : vector<16xi32>
    %add3A_165 = vector.broadcast %reduce_sum3A_90 : i32 to vector<16xi32>
    %add3A_166 = arith.addi %add3A_165, %add3A_162 : vector<16xi32>
    %jit3A_167 = arith.constant 32768 : i32
    %broadcast_in_dim3A_168 = vector.broadcast %jit3A_167 : i32 to vector<16xi32>
    %select_n3A_169 = arith.select %lt3A_164, %add3A_166, %broadcast_in_dim3A_168 : vector<16xi1>, vector<16xi32>
    %swap3A_170 = arith.constant 80 : index
    %swap3A_171 = tpu.vector_load %arg8[%swap3A_170] {strides = array<i32>} : memref<128xi32, #tpu.memory_space<vmem>>, vector<16xi32>,
    tpu.vector_store %arg8[%swap3A_170], %select_n3A_169 {strides = array<i32>} : memref<128xi32, #tpu.memory_space<vmem>>, vector<16xi32>,
    %add3A_172 = arith.constant 96 : i32
    %add3A_173 = arith.addi %add3A_94, %add3A_172 : i32
    %add3A_174 = vector.broadcast %add3A_173 : i32 to vector<16xi32>
    %add3A_175 = arith.addi %add3A_174, %iota3A : vector<16xi32>
    %lt3A_176 = vector.broadcast %reduce_sum3A_83 : i32 to vector<16xi32>
    %lt3A_177 = arith.cmpi slt, %add3A_175, %lt3A_176 : vector<16xi32>
    %add3A_178 = vector.broadcast %reduce_sum3A_90 : i32 to vector<16xi32>
    %add3A_179 = arith.addi %add3A_178, %add3A_175 : vector<16xi32>
    %jit3A_180 = arith.constant 32768 : i32
    %broadcast_in_dim3A_181 = vector.broadcast %jit3A_180 : i32 to vector<16xi32>
    %select_n3A_182 = arith.select %lt3A_177, %add3A_179, %broadcast_in_dim3A_181 : vector<16xi1>, vector<16xi32>
    %swap3A_183 = arith.constant 96 : index
    %swap3A_184 = tpu.vector_load %arg8[%swap3A_183] {strides = array<i32>} : memref<128xi32, #tpu.memory_space<vmem>>, vector<16xi32>,
    tpu.vector_store %arg8[%swap3A_183], %select_n3A_182 {strides = array<i32>} : memref<128xi32, #tpu.memory_space<vmem>>, vector<16xi32>,
    %add3A_185 = arith.constant 112 : i32
    %add3A_186 = arith.addi %add3A_94, %add3A_185 : i32
    %add3A_187 = vector.broadcast %add3A_186 : i32 to vector<16xi32>
    %add3A_188 = arith.addi %add3A_187, %iota3A : vector<16xi32>
    %lt3A_189 = vector.broadcast %reduce_sum3A_83 : i32 to vector<16xi32>
    %lt3A_190 = arith.cmpi slt, %add3A_188, %lt3A_189 : vector<16xi32>
    %add3A_191 = vector.broadcast %reduce_sum3A_90 : i32 to vector<16xi32>
    %add3A_192 = arith.addi %add3A_191, %add3A_188 : vector<16xi32>
    %jit3A_193 = arith.constant 32768 : i32
    %broadcast_in_dim3A_194 = vector.broadcast %jit3A_193 : i32 to vector<16xi32>
    %select_n3A_195 = arith.select %lt3A_190, %add3A_192, %broadcast_in_dim3A_194 : vector<16xi1>, vector<16xi32>
    %swap3A_196 = arith.constant 112 : index
    %swap3A_197 = tpu.vector_load %arg8[%swap3A_196] {strides = array<i32>} : memref<128xi32, #tpu.memory_space<vmem>>, vector<16xi32>,
    tpu.vector_store %arg8[%swap3A_196], %select_n3A_195 {strides = array<i32>} : memref<128xi32, #tpu.memory_space<vmem>>, vector<16xi32>,
    %dma_start3A = arith.constant 0 : i32
    %dma_start3A_198 = arith.constant 0 : i32
    %dma_start3A_199 = tpu.memref_slice %arg2[%dma_start3A, %dma_start3A_198] : memref<33280x128xf32, #tpu.memory_space<hbm>> -> memref<33280x128xf32, #tpu.memory_space<hbm>>
    tpu.enqueue_indirect_dma source(%dma_start3A_199 : memref<33280x128xf32, #tpu.memory_space<hbm>>) target(%arg9 : memref<128x128xf32, #tpu.memory_space<vmem>>) offsets(%arg8 : memref<128xi32, #tpu.memory_space<vmem>>) semaphore(%arg11 : memref<!tpu.dma_semaphore, #tpu.memory_space<semaphore_mem>>)
    %dma_wait3A = arith.constant 0 : i32
    %dma_wait3A_200 = arith.constant 0 : i32
    %dma_wait3A_201 = tpu.memref_slice %arg2[%dma_wait3A, %dma_wait3A_200] : memref<33280x128xf32, #tpu.memory_space<hbm>> -> memref<33280x128xf32, #tpu.memory_space<hbm>>
    tpu.wait_indirect_dma semaphore(%arg11 : memref<!tpu.dma_semaphore, #tpu.memory_space<semaphore_mem>>) src(%dma_wait3A_201 : memref<33280x128xf32, #tpu.memory_space<hbm>>) dst(%arg9 : memref<128x128xf32, #tpu.memory_space<vmem>>)
    %add3A_202 = arith.constant 0 : i32
    %add3A_203 = arith.addi %add3A_75, %add3A_202 : i32
    "tpu.region"() ({
      %run_scoped3A = tpu.sem_alloc : memref<!tpu.dma_semaphore, #tpu.memory_space<semaphore_mem>>
      %dma_start3A_1019 = arith.constant 0 : i32
      %dma_start3A_1020 = tpu.memref_slice %arg5[%select_n3A_54, %add3A_203, %dma_start3A_1019] : memref<4x8193x128xf32, #tpu.memory_space<hbm>> -> memref<1x128x128xf32, #tpu.memory_space<hbm>>
      %dma_start3A_1021 = tpu.memref_squeeze %dma_start3A_1020 : memref<1x128x128xf32, #tpu.memory_space<hbm>> -> memref<128x128xf32, #tpu.memory_space<hbm>>
      %dma_start3A_1022 = arith.constant 0 : i32
      %dma_start3A_1023 = tpu.memref_slice %arg5[%select_n3A_54, %add3A_203, %dma_start3A_1022] : memref<4x8193x128xf32, #tpu.memory_space<hbm>> -> memref<1x128x128xf32, #tpu.memory_space<hbm>>
      %dma_start3A_1024 = tpu.memref_squeeze %dma_start3A_1023 : memref<1x128x128xf32, #tpu.memory_space<hbm>> -> memref<128x128xf32, #tpu.memory_space<hbm>>
      tpu.enqueue_dma source(%arg9 : memref<128x128xf32, #tpu.memory_space<vmem>>) target(%dma_start3A_1024 : memref<128x128xf32, #tpu.memory_space<hbm>>) target_semaphore(%run_scoped3A : memref<!tpu.dma_semaphore, #tpu.memory_space<semaphore_mem>>)
      %dma_wait3A_1025 = arith.constant 0 : i32
      %dma_wait3A_1026 = tpu.memref_slice %arg5[%select_n3A_54, %add3A_203, %dma_wait3A_1025] : memref<4x8193x128xf32, #tpu.memory_space<hbm>> -> memref<1x128x128xf32, #tpu.memory_space<hbm>>
      %dma_wait3A_1027 = tpu.memref_squeeze %dma_wait3A_1026 : memref<1x128x128xf32, #tpu.memory_space<hbm>> -> memref<128x128xf32, #tpu.memory_space<hbm>>
      %dma_wait3A_1028 = arith.constant 0 : i32
      %dma_wait3A_1029 = tpu.memref_slice %arg5[%select_n3A_54, %add3A_203, %dma_wait3A_1028] : memref<4x8193x128xf32, #tpu.memory_space<hbm>> -> memref<1x128x128xf32, #tpu.memory_space<hbm>>
      %dma_wait3A_1030 = tpu.memref_squeeze %dma_wait3A_1029 : memref<1x128x128xf32, #tpu.memory_space<hbm>> -> memref<128x128xf32, #tpu.memory_space<hbm>>
      tpu.wait_dma2 semaphore(%run_scoped3A : memref<!tpu.dma_semaphore, #tpu.memory_space<semaphore_mem>>) src(%arg9 : memref<128x128xf32, #tpu.memory_space<vmem>>) dst(%dma_wait3A_1030 : memref<128x128xf32, #tpu.memory_space<hbm>>)
      tpu.yield
    }) : () -> ()
    %mul3A_204 = arith.constant 1024 : i32
    %mul3A_205 = arith.muli %select_n3A_30, %mul3A_204 : i32
    %add3A_206 = arith.constant 128 : i32
    %add3A_207 = arith.addi %mul3A_205, %add3A_206 : i32
    %add3A_208 = arith.constant 0 : i32
    %add3A_209 = arith.addi %add3A_207, %add3A_208 : i32
    %add3A_210 = vector.broadcast %add3A_209 : i32 to vector<16xi32>
    %add3A_211 = arith.addi %add3A_210, %iota3A : vector<16xi32>
    %lt3A_212 = vector.broadcast %reduce_sum3A_83 : i32 to vector<16xi32>
    %lt3A_213 = arith.cmpi slt, %add3A_211, %lt3A_212 : vector<16xi32>
    %add3A_214 = vector.broadcast %reduce_sum3A_90 : i32 to vector<16xi32>
    %add3A_215 = arith.addi %add3A_214, %add3A_211 : vector<16xi32>
    %jit3A_216 = arith.constant 32768 : i32
    %broadcast_in_dim3A_217 = vector.broadcast %jit3A_216 : i32 to vector<16xi32>
    %select_n3A_218 = arith.select %lt3A_213, %add3A_215, %broadcast_in_dim3A_217 : vector<16xi1>, vector<16xi32>
    %swap3A_219 = arith.constant 0 : index
    %swap3A_220 = tpu.vector_load %arg8[%swap3A_219] {strides = array<i32>} : memref<128xi32, #tpu.memory_space<vmem>>, vector<16xi32>,
    tpu.vector_store %arg8[%swap3A_219], %select_n3A_218 {strides = array<i32>} : memref<128xi32, #tpu.memory_space<vmem>>, vector<16xi32>,
    %add3A_221 = arith.constant 16 : i32
    %add3A_222 = arith.addi %add3A_207, %add3A_221 : i32
    %add3A_223 = vector.broadcast %add3A_222 : i32 to vector<16xi32>
    %add3A_224 = arith.addi %add3A_223, %iota3A : vector<16xi32>
    %lt3A_225 = vector.broadcast %reduce_sum3A_83 : i32 to vector<16xi32>
    %lt3A_226 = arith.cmpi slt, %add3A_224, %lt3A_225 : vector<16xi32>
    %add3A_227 = vector.broadcast %reduce_sum3A_90 : i32 to vector<16xi32>
    %add3A_228 = arith.addi %add3A_227, %add3A_224 : vector<16xi32>
    %jit3A_229 = arith.constant 32768 : i32
    %broadcast_in_dim3A_230 = vector.broadcast %jit3A_229 : i32 to vector<16xi32>
    %select_n3A_231 = arith.select %lt3A_226, %add3A_228, %broadcast_in_dim3A_230 : vector<16xi1>, vector<16xi32>
    %swap3A_232 = arith.constant 16 : index
    %swap3A_233 = tpu.vector_load %arg8[%swap3A_232] {strides = array<i32>} : memref<128xi32, #tpu.memory_space<vmem>>, vector<16xi32>,
    tpu.vector_store %arg8[%swap3A_232], %select_n3A_231 {strides = array<i32>} : memref<128xi32, #tpu.memory_space<vmem>>, vector<16xi32>,
    %add3A_234 = arith.constant 32 : i32
    %add3A_235 = arith.addi %add3A_207, %add3A_234 : i32
    %add3A_236 = vector.broadcast %add3A_235 : i32 to vector<16xi32>
    %add3A_237 = arith.addi %add3A_236, %iota3A : vector<16xi32>
    %lt3A_238 = vector.broadcast %reduce_sum3A_83 : i32 to vector<16xi32>
    %lt3A_239 = arith.cmpi slt, %add3A_237, %lt3A_238 : vector<16xi32>
    %add3A_240 = vector.broadcast %reduce_sum3A_90 : i32 to vector<16xi32>
    %add3A_241 = arith.addi %add3A_240, %add3A_237 : vector<16xi32>
    %jit3A_242 = arith.constant 32768 : i32
    %broadcast_in_dim3A_243 = vector.broadcast %jit3A_242 : i32 to vector<16xi32>
    %select_n3A_244 = arith.select %lt3A_239, %add3A_241, %broadcast_in_dim3A_243 : vector<16xi1>, vector<16xi32>
    %swap3A_245 = arith.constant 32 : index
    %swap3A_246 = tpu.vector_load %arg8[%swap3A_245] {strides = array<i32>} : memref<128xi32, #tpu.memory_space<vmem>>, vector<16xi32>,
    tpu.vector_store %arg8[%swap3A_245], %select_n3A_244 {strides = array<i32>} : memref<128xi32, #tpu.memory_space<vmem>>, vector<16xi32>,
    %add3A_247 = arith.constant 48 : i32
    %add3A_248 = arith.addi %add3A_207, %add3A_247 : i32
    %add3A_249 = vector.broadcast %add3A_248 : i32 to vector<16xi32>
    %add3A_250 = arith.addi %add3A_249, %iota3A : vector<16xi32>
    %lt3A_251 = vector.broadcast %reduce_sum3A_83 : i32 to vector<16xi32>
    %lt3A_252 = arith.cmpi slt, %add3A_250, %lt3A_251 : vector<16xi32>
    %add3A_253 = vector.broadcast %reduce_sum3A_90 : i32 to vector<16xi32>
    %add3A_254 = arith.addi %add3A_253, %add3A_250 : vector<16xi32>
    %jit3A_255 = arith.constant 32768 : i32
    %broadcast_in_dim3A_256 = vector.broadcast %jit3A_255 : i32 to vector<16xi32>
    %select_n3A_257 = arith.select %lt3A_252, %add3A_254, %broadcast_in_dim3A_256 : vector<16xi1>, vector<16xi32>
    %swap3A_258 = arith.constant 48 : index
    %swap3A_259 = tpu.vector_load %arg8[%swap3A_258] {strides = array<i32>} : memref<128xi32, #tpu.memory_space<vmem>>, vector<16xi32>,
    tpu.vector_store %arg8[%swap3A_258], %select_n3A_257 {strides = array<i32>} : memref<128xi32, #tpu.memory_space<vmem>>, vector<16xi32>,
    %add3A_260 = arith.constant 64 : i32
    %add3A_261 = arith.addi %add3A_207, %add3A_260 : i32
    %add3A_262 = vector.broadcast %add3A_261 : i32 to vector<16xi32>
    %add3A_263 = arith.addi %add3A_262, %iota3A : vector<16xi32>
    %lt3A_264 = vector.broadcast %reduce_sum3A_83 : i32 to vector<16xi32>
    %lt3A_265 = arith.cmpi slt, %add3A_263, %lt3A_264 : vector<16xi32>
    %add3A_266 = vector.broadcast %reduce_sum3A_90 : i32 to vector<16xi32>
    %add3A_267 = arith.addi %add3A_266, %add3A_263 : vector<16xi32>
    %jit3A_268 = arith.constant 32768 : i32
    %broadcast_in_dim3A_269 = vector.broadcast %jit3A_268 : i32 to vector<16xi32>
    %select_n3A_270 = arith.select %lt3A_265, %add3A_267, %broadcast_in_dim3A_269 : vector<16xi1>, vector<16xi32>
    %swap3A_271 = arith.constant 64 : index
    %swap3A_272 = tpu.vector_load %arg8[%swap3A_271] {strides = array<i32>} : memref<128xi32, #tpu.memory_space<vmem>>, vector<16xi32>,
    tpu.vector_store %arg8[%swap3A_271], %select_n3A_270 {strides = array<i32>} : memref<128xi32, #tpu.memory_space<vmem>>, vector<16xi32>,
    %add3A_273 = arith.constant 80 : i32
    %add3A_274 = arith.addi %add3A_207, %add3A_273 : i32
    %add3A_275 = vector.broadcast %add3A_274 : i32 to vector<16xi32>
    %add3A_276 = arith.addi %add3A_275, %iota3A : vector<16xi32>
    %lt3A_277 = vector.broadcast %reduce_sum3A_83 : i32 to vector<16xi32>
    %lt3A_278 = arith.cmpi slt, %add3A_276, %lt3A_277 : vector<16xi32>
    %add3A_279 = vector.broadcast %reduce_sum3A_90 : i32 to vector<16xi32>
    %add3A_280 = arith.addi %add3A_279, %add3A_276 : vector<16xi32>
    %jit3A_281 = arith.constant 32768 : i32
    %broadcast_in_dim3A_282 = vector.broadcast %jit3A_281 : i32 to vector<16xi32>
    %select_n3A_283 = arith.select %lt3A_278, %add3A_280, %broadcast_in_dim3A_282 : vector<16xi1>, vector<16xi32>
    %swap3A_284 = arith.constant 80 : index
    %swap3A_285 = tpu.vector_load %arg8[%swap3A_284] {strides = array<i32>} : memref<128xi32, #tpu.memory_space<vmem>>, vector<16xi32>,
    tpu.vector_store %arg8[%swap3A_284], %select_n3A_283 {strides = array<i32>} : memref<128xi32, #tpu.memory_space<vmem>>, vector<16xi32>,
    %add3A_286 = arith.constant 96 : i32
    %add3A_287 = arith.addi %add3A_207, %add3A_286 : i32
    %add3A_288 = vector.broadcast %add3A_287 : i32 to vector<16xi32>
    %add3A_289 = arith.addi %add3A_288, %iota3A : vector<16xi32>
    %lt3A_290 = vector.broadcast %reduce_sum3A_83 : i32 to vector<16xi32>
    %lt3A_291 = arith.cmpi slt, %add3A_289, %lt3A_290 : vector<16xi32>
    %add3A_292 = vector.broadcast %reduce_sum3A_90 : i32 to vector<16xi32>
    %add3A_293 = arith.addi %add3A_292, %add3A_289 : vector<16xi32>
    %jit3A_294 = arith.constant 32768 : i32
    %broadcast_in_dim3A_295 = vector.broadcast %jit3A_294 : i32 to vector<16xi32>
    %select_n3A_296 = arith.select %lt3A_291, %add3A_293, %broadcast_in_dim3A_295 : vector<16xi1>, vector<16xi32>
    %swap3A_297 = arith.constant 96 : index
    %swap3A_298 = tpu.vector_load %arg8[%swap3A_297] {strides = array<i32>} : memref<128xi32, #tpu.memory_space<vmem>>, vector<16xi32>,
    tpu.vector_store %arg8[%swap3A_297], %select_n3A_296 {strides = array<i32>} : memref<128xi32, #tpu.memory_space<vmem>>, vector<16xi32>,
    %add3A_299 = arith.constant 112 : i32
    %add3A_300 = arith.addi %add3A_207, %add3A_299 : i32
    %add3A_301 = vector.broadcast %add3A_300 : i32 to vector<16xi32>
    %add3A_302 = arith.addi %add3A_301, %iota3A : vector<16xi32>
    %lt3A_303 = vector.broadcast %reduce_sum3A_83 : i32 to vector<16xi32>
    %lt3A_304 = arith.cmpi slt, %add3A_302, %lt3A_303 : vector<16xi32>
    %add3A_305 = vector.broadcast %reduce_sum3A_90 : i32 to vector<16xi32>
    %add3A_306 = arith.addi %add3A_305, %add3A_302 : vector<16xi32>
    %jit3A_307 = arith.constant 32768 : i32
    %broadcast_in_dim3A_308 = vector.broadcast %jit3A_307 : i32 to vector<16xi32>
    %select_n3A_309 = arith.select %lt3A_304, %add3A_306, %broadcast_in_dim3A_308 : vector<16xi1>, vector<16xi32>
    %swap3A_310 = arith.constant 112 : index
    %swap3A_311 = tpu.vector_load %arg8[%swap3A_310] {strides = array<i32>} : memref<128xi32, #tpu.memory_space<vmem>>, vector<16xi32>,
    tpu.vector_store %arg8[%swap3A_310], %select_n3A_309 {strides = array<i32>} : memref<128xi32, #tpu.memory_space<vmem>>, vector<16xi32>,
    %dma_start3A_312 = arith.constant 0 : i32
    %dma_start3A_313 = arith.constant 0 : i32
    %dma_start3A_314 = tpu.memref_slice %arg2[%dma_start3A_312, %dma_start3A_313] : memref<33280x128xf32, #tpu.memory_space<hbm>> -> memref<33280x128xf32, #tpu.memory_space<hbm>>
    tpu.enqueue_indirect_dma source(%dma_start3A_314 : memref<33280x128xf32, #tpu.memory_space<hbm>>) target(%arg9 : memref<128x128xf32, #tpu.memory_space<vmem>>) offsets(%arg8 : memref<128xi32, #tpu.memory_space<vmem>>) semaphore(%arg11 : memref<!tpu.dma_semaphore, #tpu.memory_space<semaphore_mem>>)
    %dma_wait3A_315 = arith.constant 0 : i32
    %dma_wait3A_316 = arith.constant 0 : i32
    %dma_wait3A_317 = tpu.memref_slice %arg2[%dma_wait3A_315, %dma_wait3A_316] : memref<33280x128xf32, #tpu.memory_space<hbm>> -> memref<33280x128xf32, #tpu.memory_space<hbm>>
    tpu.wait_indirect_dma semaphore(%arg11 : memref<!tpu.dma_semaphore, #tpu.memory_space<semaphore_mem>>) src(%dma_wait3A_317 : memref<33280x128xf32, #tpu.memory_space<hbm>>) dst(%arg9 : memref<128x128xf32, #tpu.memory_space<vmem>>)
    %add3A_318 = arith.constant 128 : i32
    %add3A_319 = arith.addi %add3A_75, %add3A_318 : i32
    "tpu.region"() ({
      %run_scoped3A = tpu.sem_alloc : memref<!tpu.dma_semaphore, #tpu.memory_space<semaphore_mem>>
      %dma_start3A_1019 = arith.constant 0 : i32
      %dma_start3A_1020 = tpu.memref_slice %arg5[%select_n3A_54, %add3A_319, %dma_start3A_1019] : memref<4x8193x128xf32, #tpu.memory_space<hbm>> -> memref<1x128x128xf32, #tpu.memory_space<hbm>>
      %dma_start3A_1021 = tpu.memref_squeeze %dma_start3A_1020 : memref<1x128x128xf32, #tpu.memory_space<hbm>> -> memref<128x128xf32, #tpu.memory_space<hbm>>
      %dma_start3A_1022 = arith.constant 0 : i32
      %dma_start3A_1023 = tpu.memref_slice %arg5[%select_n3A_54, %add3A_319, %dma_start3A_1022] : memref<4x8193x128xf32, #tpu.memory_space<hbm>> -> memref<1x128x128xf32, #tpu.memory_space<hbm>>
      %dma_start3A_1024 = tpu.memref_squeeze %dma_start3A_1023 : memref<1x128x128xf32, #tpu.memory_space<hbm>> -> memref<128x128xf32, #tpu.memory_space<hbm>>
      tpu.enqueue_dma source(%arg9 : memref<128x128xf32, #tpu.memory_space<vmem>>) target(%dma_start3A_1024 : memref<128x128xf32, #tpu.memory_space<hbm>>) target_semaphore(%run_scoped3A : memref<!tpu.dma_semaphore, #tpu.memory_space<semaphore_mem>>)
      %dma_wait3A_1025 = arith.constant 0 : i32
      %dma_wait3A_1026 = tpu.memref_slice %arg5[%select_n3A_54, %add3A_319, %dma_wait3A_1025] : memref<4x8193x128xf32, #tpu.memory_space<hbm>> -> memref<1x128x128xf32, #tpu.memory_space<hbm>>
      %dma_wait3A_1027 = tpu.memref_squeeze %dma_wait3A_1026 : memref<1x128x128xf32, #tpu.memory_space<hbm>> -> memref<128x128xf32, #tpu.memory_space<hbm>>
      %dma_wait3A_1028 = arith.constant 0 : i32
      %dma_wait3A_1029 = tpu.memref_slice %arg5[%select_n3A_54, %add3A_319, %dma_wait3A_1028] : memref<4x8193x128xf32, #tpu.memory_space<hbm>> -> memref<1x128x128xf32, #tpu.memory_space<hbm>>
      %dma_wait3A_1030 = tpu.memref_squeeze %dma_wait3A_1029 : memref<1x128x128xf32, #tpu.memory_space<hbm>> -> memref<128x128xf32, #tpu.memory_space<hbm>>
      tpu.wait_dma2 semaphore(%run_scoped3A : memref<!tpu.dma_semaphore, #tpu.memory_space<semaphore_mem>>) src(%arg9 : memref<128x128xf32, #tpu.memory_space<vmem>>) dst(%dma_wait3A_1030 : memref<128x128xf32, #tpu.memory_space<hbm>>)
      tpu.yield
    }) : () -> ()
    %mul3A_320 = arith.constant 1024 : i32
    %mul3A_321 = arith.muli %select_n3A_30, %mul3A_320 : i32
    %add3A_322 = arith.constant 256 : i32
    %add3A_323 = arith.addi %mul3A_321, %add3A_322 : i32
    %add3A_324 = arith.constant 0 : i32
    %add3A_325 = arith.addi %add3A_323, %add3A_324 : i32
    %add3A_326 = vector.broadcast %add3A_325 : i32 to vector<16xi32>
    %add3A_327 = arith.addi %add3A_326, %iota3A : vector<16xi32>
    %lt3A_328 = vector.broadcast %reduce_sum3A_83 : i32 to vector<16xi32>
    %lt3A_329 = arith.cmpi slt, %add3A_327, %lt3A_328 : vector<16xi32>
    %add3A_330 = vector.broadcast %reduce_sum3A_90 : i32 to vector<16xi32>
    %add3A_331 = arith.addi %add3A_330, %add3A_327 : vector<16xi32>
    %jit3A_332 = arith.constant 32768 : i32
    %broadcast_in_dim3A_333 = vector.broadcast %jit3A_332 : i32 to vector<16xi32>
    %select_n3A_334 = arith.select %lt3A_329, %add3A_331, %broadcast_in_dim3A_333 : vector<16xi1>, vector<16xi32>
    %swap3A_335 = arith.constant 0 : index
    %swap3A_336 = tpu.vector_load %arg8[%swap3A_335] {strides = array<i32>} : memref<128xi32, #tpu.memory_space<vmem>>, vector<16xi32>,
    tpu.vector_store %arg8[%swap3A_335], %select_n3A_334 {strides = array<i32>} : memref<128xi32, #tpu.memory_space<vmem>>, vector<16xi32>,
    %add3A_337 = arith.constant 16 : i32
    %add3A_338 = arith.addi %add3A_323, %add3A_337 : i32
    %add3A_339 = vector.broadcast %add3A_338 : i32 to vector<16xi32>
    %add3A_340 = arith.addi %add3A_339, %iota3A : vector<16xi32>
    %lt3A_341 = vector.broadcast %reduce_sum3A_83 : i32 to vector<16xi32>
    %lt3A_342 = arith.cmpi slt, %add3A_340, %lt3A_341 : vector<16xi32>
    %add3A_343 = vector.broadcast %reduce_sum3A_90 : i32 to vector<16xi32>
    %add3A_344 = arith.addi %add3A_343, %add3A_340 : vector<16xi32>
    %jit3A_345 = arith.constant 32768 : i32
    %broadcast_in_dim3A_346 = vector.broadcast %jit3A_345 : i32 to vector<16xi32>
    %select_n3A_347 = arith.select %lt3A_342, %add3A_344, %broadcast_in_dim3A_346 : vector<16xi1>, vector<16xi32>
    %swap3A_348 = arith.constant 16 : index
    %swap3A_349 = tpu.vector_load %arg8[%swap3A_348] {strides = array<i32>} : memref<128xi32, #tpu.memory_space<vmem>>, vector<16xi32>,
    tpu.vector_store %arg8[%swap3A_348], %select_n3A_347 {strides = array<i32>} : memref<128xi32, #tpu.memory_space<vmem>>, vector<16xi32>,
    %add3A_350 = arith.constant 32 : i32
    %add3A_351 = arith.addi %add3A_323, %add3A_350 : i32
    %add3A_352 = vector.broadcast %add3A_351 : i32 to vector<16xi32>
    %add3A_353 = arith.addi %add3A_352, %iota3A : vector<16xi32>
    %lt3A_354 = vector.broadcast %reduce_sum3A_83 : i32 to vector<16xi32>
    %lt3A_355 = arith.cmpi slt, %add3A_353, %lt3A_354 : vector<16xi32>
    %add3A_356 = vector.broadcast %reduce_sum3A_90 : i32 to vector<16xi32>
    %add3A_357 = arith.addi %add3A_356, %add3A_353 : vector<16xi32>
    %jit3A_358 = arith.constant 32768 : i32
    %broadcast_in_dim3A_359 = vector.broadcast %jit3A_358 : i32 to vector<16xi32>
    %select_n3A_360 = arith.select %lt3A_355, %add3A_357, %broadcast_in_dim3A_359 : vector<16xi1>, vector<16xi32>
    %swap3A_361 = arith.constant 32 : index
    %swap3A_362 = tpu.vector_load %arg8[%swap3A_361] {strides = array<i32>} : memref<128xi32, #tpu.memory_space<vmem>>, vector<16xi32>,
    tpu.vector_store %arg8[%swap3A_361], %select_n3A_360 {strides = array<i32>} : memref<128xi32, #tpu.memory_space<vmem>>, vector<16xi32>,
    %add3A_363 = arith.constant 48 : i32
    %add3A_364 = arith.addi %add3A_323, %add3A_363 : i32
    %add3A_365 = vector.broadcast %add3A_364 : i32 to vector<16xi32>
    %add3A_366 = arith.addi %add3A_365, %iota3A : vector<16xi32>
    %lt3A_367 = vector.broadcast %reduce_sum3A_83 : i32 to vector<16xi32>
    %lt3A_368 = arith.cmpi slt, %add3A_366, %lt3A_367 : vector<16xi32>
    %add3A_369 = vector.broadcast %reduce_sum3A_90 : i32 to vector<16xi32>
    %add3A_370 = arith.addi %add3A_369, %add3A_366 : vector<16xi32>
    %jit3A_371 = arith.constant 32768 : i32
    %broadcast_in_dim3A_372 = vector.broadcast %jit3A_371 : i32 to vector<16xi32>
    %select_n3A_373 = arith.select %lt3A_368, %add3A_370, %broadcast_in_dim3A_372 : vector<16xi1>, vector<16xi32>
    %swap3A_374 = arith.constant 48 : index
    %swap3A_375 = tpu.vector_load %arg8[%swap3A_374] {strides = array<i32>} : memref<128xi32, #tpu.memory_space<vmem>>, vector<16xi32>,
    tpu.vector_store %arg8[%swap3A_374], %select_n3A_373 {strides = array<i32>} : memref<128xi32, #tpu.memory_space<vmem>>, vector<16xi32>,
    %add3A_376 = arith.constant 64 : i32
    %add3A_377 = arith.addi %add3A_323, %add3A_376 : i32
    %add3A_378 = vector.broadcast %add3A_377 : i32 to vector<16xi32>
    %add3A_379 = arith.addi %add3A_378, %iota3A : vector<16xi32>
    %lt3A_380 = vector.broadcast %reduce_sum3A_83 : i32 to vector<16xi32>
    %lt3A_381 = arith.cmpi slt, %add3A_379, %lt3A_380 : vector<16xi32>
    %add3A_382 = vector.broadcast %reduce_sum3A_90 : i32 to vector<16xi32>
    %add3A_383 = arith.addi %add3A_382, %add3A_379 : vector<16xi32>
    %jit3A_384 = arith.constant 32768 : i32
    %broadcast_in_dim3A_385 = vector.broadcast %jit3A_384 : i32 to vector<16xi32>
    %select_n3A_386 = arith.select %lt3A_381, %add3A_383, %broadcast_in_dim3A_385 : vector<16xi1>, vector<16xi32>
    %swap3A_387 = arith.constant 64 : index
    %swap3A_388 = tpu.vector_load %arg8[%swap3A_387] {strides = array<i32>} : memref<128xi32, #tpu.memory_space<vmem>>, vector<16xi32>,
    tpu.vector_store %arg8[%swap3A_387], %select_n3A_386 {strides = array<i32>} : memref<128xi32, #tpu.memory_space<vmem>>, vector<16xi32>,
    %add3A_389 = arith.constant 80 : i32
    %add3A_390 = arith.addi %add3A_323, %add3A_389 : i32
    %add3A_391 = vector.broadcast %add3A_390 : i32 to vector<16xi32>
    %add3A_392 = arith.addi %add3A_391, %iota3A : vector<16xi32>
    %lt3A_393 = vector.broadcast %reduce_sum3A_83 : i32 to vector<16xi32>
    %lt3A_394 = arith.cmpi slt, %add3A_392, %lt3A_393 : vector<16xi32>
    %add3A_395 = vector.broadcast %reduce_sum3A_90 : i32 to vector<16xi32>
    %add3A_396 = arith.addi %add3A_395, %add3A_392 : vector<16xi32>
    %jit3A_397 = arith.constant 32768 : i32
    %broadcast_in_dim3A_398 = vector.broadcast %jit3A_397 : i32 to vector<16xi32>
    %select_n3A_399 = arith.select %lt3A_394, %add3A_396, %broadcast_in_dim3A_398 : vector<16xi1>, vector<16xi32>
    %swap3A_400 = arith.constant 80 : index
    %swap3A_401 = tpu.vector_load %arg8[%swap3A_400] {strides = array<i32>} : memref<128xi32, #tpu.memory_space<vmem>>, vector<16xi32>,
    tpu.vector_store %arg8[%swap3A_400], %select_n3A_399 {strides = array<i32>} : memref<128xi32, #tpu.memory_space<vmem>>, vector<16xi32>,
    %add3A_402 = arith.constant 96 : i32
    %add3A_403 = arith.addi %add3A_323, %add3A_402 : i32
    %add3A_404 = vector.broadcast %add3A_403 : i32 to vector<16xi32>
    %add3A_405 = arith.addi %add3A_404, %iota3A : vector<16xi32>
    %lt3A_406 = vector.broadcast %reduce_sum3A_83 : i32 to vector<16xi32>
    %lt3A_407 = arith.cmpi slt, %add3A_405, %lt3A_406 : vector<16xi32>
    %add3A_408 = vector.broadcast %reduce_sum3A_90 : i32 to vector<16xi32>
    %add3A_409 = arith.addi %add3A_408, %add3A_405 : vector<16xi32>
    %jit3A_410 = arith.constant 32768 : i32
    %broadcast_in_dim3A_411 = vector.broadcast %jit3A_410 : i32 to vector<16xi32>
    %select_n3A_412 = arith.select %lt3A_407, %add3A_409, %broadcast_in_dim3A_411 : vector<16xi1>, vector<16xi32>
    %swap3A_413 = arith.constant 96 : index
    %swap3A_414 = tpu.vector_load %arg8[%swap3A_413] {strides = array<i32>} : memref<128xi32, #tpu.memory_space<vmem>>, vector<16xi32>,
    tpu.vector_store %arg8[%swap3A_413], %select_n3A_412 {strides = array<i32>} : memref<128xi32, #tpu.memory_space<vmem>>, vector<16xi32>,
    %add3A_415 = arith.constant 112 : i32
    %add3A_416 = arith.addi %add3A_323, %add3A_415 : i32
    %add3A_417 = vector.broadcast %add3A_416 : i32 to vector<16xi32>
    %add3A_418 = arith.addi %add3A_417, %iota3A : vector<16xi32>
    %lt3A_419 = vector.broadcast %reduce_sum3A_83 : i32 to vector<16xi32>
    %lt3A_420 = arith.cmpi slt, %add3A_418, %lt3A_419 : vector<16xi32>
    %add3A_421 = vector.broadcast %reduce_sum3A_90 : i32 to vector<16xi32>
    %add3A_422 = arith.addi %add3A_421, %add3A_418 : vector<16xi32>
    %jit3A_423 = arith.constant 32768 : i32
    %broadcast_in_dim3A_424 = vector.broadcast %jit3A_423 : i32 to vector<16xi32>
    %select_n3A_425 = arith.select %lt3A_420, %add3A_422, %broadcast_in_dim3A_424 : vector<16xi1>, vector<16xi32>
    %swap3A_426 = arith.constant 112 : index
    %swap3A_427 = tpu.vector_load %arg8[%swap3A_426] {strides = array<i32>} : memref<128xi32, #tpu.memory_space<vmem>>, vector<16xi32>,
    tpu.vector_store %arg8[%swap3A_426], %select_n3A_425 {strides = array<i32>} : memref<128xi32, #tpu.memory_space<vmem>>, vector<16xi32>,
    %dma_start3A_428 = arith.constant 0 : i32
    %dma_start3A_429 = arith.constant 0 : i32
    %dma_start3A_430 = tpu.memref_slice %arg2[%dma_start3A_428, %dma_start3A_429] : memref<33280x128xf32, #tpu.memory_space<hbm>> -> memref<33280x128xf32, #tpu.memory_space<hbm>>
    tpu.enqueue_indirect_dma source(%dma_start3A_430 : memref<33280x128xf32, #tpu.memory_space<hbm>>) target(%arg9 : memref<128x128xf32, #tpu.memory_space<vmem>>) offsets(%arg8 : memref<128xi32, #tpu.memory_space<vmem>>) semaphore(%arg11 : memref<!tpu.dma_semaphore, #tpu.memory_space<semaphore_mem>>)
    %dma_wait3A_431 = arith.constant 0 : i32
    %dma_wait3A_432 = arith.constant 0 : i32
    %dma_wait3A_433 = tpu.memref_slice %arg2[%dma_wait3A_431, %dma_wait3A_432] : memref<33280x128xf32, #tpu.memory_space<hbm>> -> memref<33280x128xf32, #tpu.memory_space<hbm>>
    tpu.wait_indirect_dma semaphore(%arg11 : memref<!tpu.dma_semaphore, #tpu.memory_space<semaphore_mem>>) src(%dma_wait3A_433 : memref<33280x128xf32, #tpu.memory_space<hbm>>) dst(%arg9 : memref<128x128xf32, #tpu.memory_space<vmem>>)
    %add3A_434 = arith.constant 256 : i32
    %add3A_435 = arith.addi %add3A_75, %add3A_434 : i32
    "tpu.region"() ({
      %run_scoped3A = tpu.sem_alloc : memref<!tpu.dma_semaphore, #tpu.memory_space<semaphore_mem>>
      %dma_start3A_1019 = arith.constant 0 : i32
      %dma_start3A_1020 = tpu.memref_slice %arg5[%select_n3A_54, %add3A_435, %dma_start3A_1019] : memref<4x8193x128xf32, #tpu.memory_space<hbm>> -> memref<1x128x128xf32, #tpu.memory_space<hbm>>
      %dma_start3A_1021 = tpu.memref_squeeze %dma_start3A_1020 : memref<1x128x128xf32, #tpu.memory_space<hbm>> -> memref<128x128xf32, #tpu.memory_space<hbm>>
      %dma_start3A_1022 = arith.constant 0 : i32
      %dma_start3A_1023 = tpu.memref_slice %arg5[%select_n3A_54, %add3A_435, %dma_start3A_1022] : memref<4x8193x128xf32, #tpu.memory_space<hbm>> -> memref<1x128x128xf32, #tpu.memory_space<hbm>>
      %dma_start3A_1024 = tpu.memref_squeeze %dma_start3A_1023 : memref<1x128x128xf32, #tpu.memory_space<hbm>> -> memref<128x128xf32, #tpu.memory_space<hbm>>
      tpu.enqueue_dma source(%arg9 : memref<128x128xf32, #tpu.memory_space<vmem>>) target(%dma_start3A_1024 : memref<128x128xf32, #tpu.memory_space<hbm>>) target_semaphore(%run_scoped3A : memref<!tpu.dma_semaphore, #tpu.memory_space<semaphore_mem>>)
      %dma_wait3A_1025 = arith.constant 0 : i32
      %dma_wait3A_1026 = tpu.memref_slice %arg5[%select_n3A_54, %add3A_435, %dma_wait3A_1025] : memref<4x8193x128xf32, #tpu.memory_space<hbm>> -> memref<1x128x128xf32, #tpu.memory_space<hbm>>
      %dma_wait3A_1027 = tpu.memref_squeeze %dma_wait3A_1026 : memref<1x128x128xf32, #tpu.memory_space<hbm>> -> memref<128x128xf32, #tpu.memory_space<hbm>>
      %dma_wait3A_1028 = arith.constant 0 : i32
      %dma_wait3A_1029 = tpu.memref_slice %arg5[%select_n3A_54, %add3A_435, %dma_wait3A_1028] : memref<4x8193x128xf32, #tpu.memory_space<hbm>> -> memref<1x128x128xf32, #tpu.memory_space<hbm>>
      %dma_wait3A_1030 = tpu.memref_squeeze %dma_wait3A_1029 : memref<1x128x128xf32, #tpu.memory_space<hbm>> -> memref<128x128xf32, #tpu.memory_space<hbm>>
      tpu.wait_dma2 semaphore(%run_scoped3A : memref<!tpu.dma_semaphore, #tpu.memory_space<semaphore_mem>>) src(%arg9 : memref<128x128xf32, #tpu.memory_space<vmem>>) dst(%dma_wait3A_1030 : memref<128x128xf32, #tpu.memory_space<hbm>>)
      tpu.yield
    }) : () -> ()
    %mul3A_436 = arith.constant 1024 : i32
    %mul3A_437 = arith.muli %select_n3A_30, %mul3A_436 : i32
    %add3A_438 = arith.constant 384 : i32
    %add3A_439 = arith.addi %mul3A_437, %add3A_438 : i32
    %add3A_440 = arith.constant 0 : i32
    %add3A_441 = arith.addi %add3A_439, %add3A_440 : i32
    %add3A_442 = vector.broadcast %add3A_441 : i32 to vector<16xi32>
    %add3A_443 = arith.addi %add3A_442, %iota3A : vector<16xi32>
    %lt3A_444 = vector.broadcast %reduce_sum3A_83 : i32 to vector<16xi32>
    %lt3A_445 = arith.cmpi slt, %add3A_443, %lt3A_444 : vector<16xi32>
    %add3A_446 = vector.broadcast %reduce_sum3A_90 : i32 to vector<16xi32>
    %add3A_447 = arith.addi %add3A_446, %add3A_443 : vector<16xi32>
    %jit3A_448 = arith.constant 32768 : i32
    %broadcast_in_dim3A_449 = vector.broadcast %jit3A_448 : i32 to vector<16xi32>
    %select_n3A_450 = arith.select %lt3A_445, %add3A_447, %broadcast_in_dim3A_449 : vector<16xi1>, vector<16xi32>
    %swap3A_451 = arith.constant 0 : index
    %swap3A_452 = tpu.vector_load %arg8[%swap3A_451] {strides = array<i32>} : memref<128xi32, #tpu.memory_space<vmem>>, vector<16xi32>,
    tpu.vector_store %arg8[%swap3A_451], %select_n3A_450 {strides = array<i32>} : memref<128xi32, #tpu.memory_space<vmem>>, vector<16xi32>,
    %add3A_453 = arith.constant 16 : i32
    %add3A_454 = arith.addi %add3A_439, %add3A_453 : i32
    %add3A_455 = vector.broadcast %add3A_454 : i32 to vector<16xi32>
    %add3A_456 = arith.addi %add3A_455, %iota3A : vector<16xi32>
    %lt3A_457 = vector.broadcast %reduce_sum3A_83 : i32 to vector<16xi32>
    %lt3A_458 = arith.cmpi slt, %add3A_456, %lt3A_457 : vector<16xi32>
    %add3A_459 = vector.broadcast %reduce_sum3A_90 : i32 to vector<16xi32>
    %add3A_460 = arith.addi %add3A_459, %add3A_456 : vector<16xi32>
    %jit3A_461 = arith.constant 32768 : i32
    %broadcast_in_dim3A_462 = vector.broadcast %jit3A_461 : i32 to vector<16xi32>
    %select_n3A_463 = arith.select %lt3A_458, %add3A_460, %broadcast_in_dim3A_462 : vector<16xi1>, vector<16xi32>
    %swap3A_464 = arith.constant 16 : index
    %swap3A_465 = tpu.vector_load %arg8[%swap3A_464] {strides = array<i32>} : memref<128xi32, #tpu.memory_space<vmem>>, vector<16xi32>,
    tpu.vector_store %arg8[%swap3A_464], %select_n3A_463 {strides = array<i32>} : memref<128xi32, #tpu.memory_space<vmem>>, vector<16xi32>,
    %add3A_466 = arith.constant 32 : i32
    %add3A_467 = arith.addi %add3A_439, %add3A_466 : i32
    %add3A_468 = vector.broadcast %add3A_467 : i32 to vector<16xi32>
    %add3A_469 = arith.addi %add3A_468, %iota3A : vector<16xi32>
    %lt3A_470 = vector.broadcast %reduce_sum3A_83 : i32 to vector<16xi32>
    %lt3A_471 = arith.cmpi slt, %add3A_469, %lt3A_470 : vector<16xi32>
    %add3A_472 = vector.broadcast %reduce_sum3A_90 : i32 to vector<16xi32>
    %add3A_473 = arith.addi %add3A_472, %add3A_469 : vector<16xi32>
    %jit3A_474 = arith.constant 32768 : i32
    %broadcast_in_dim3A_475 = vector.broadcast %jit3A_474 : i32 to vector<16xi32>
    %select_n3A_476 = arith.select %lt3A_471, %add3A_473, %broadcast_in_dim3A_475 : vector<16xi1>, vector<16xi32>
    %swap3A_477 = arith.constant 32 : index
    %swap3A_478 = tpu.vector_load %arg8[%swap3A_477] {strides = array<i32>} : memref<128xi32, #tpu.memory_space<vmem>>, vector<16xi32>,
    tpu.vector_store %arg8[%swap3A_477], %select_n3A_476 {strides = array<i32>} : memref<128xi32, #tpu.memory_space<vmem>>, vector<16xi32>,
    %add3A_479 = arith.constant 48 : i32
    %add3A_480 = arith.addi %add3A_439, %add3A_479 : i32
    %add3A_481 = vector.broadcast %add3A_480 : i32 to vector<16xi32>
    %add3A_482 = arith.addi %add3A_481, %iota3A : vector<16xi32>
    %lt3A_483 = vector.broadcast %reduce_sum3A_83 : i32 to vector<16xi32>
    %lt3A_484 = arith.cmpi slt, %add3A_482, %lt3A_483 : vector<16xi32>
    %add3A_485 = vector.broadcast %reduce_sum3A_90 : i32 to vector<16xi32>
    %add3A_486 = arith.addi %add3A_485, %add3A_482 : vector<16xi32>
    %jit3A_487 = arith.constant 32768 : i32
    %broadcast_in_dim3A_488 = vector.broadcast %jit3A_487 : i32 to vector<16xi32>
    %select_n3A_489 = arith.select %lt3A_484, %add3A_486, %broadcast_in_dim3A_488 : vector<16xi1>, vector<16xi32>
    %swap3A_490 = arith.constant 48 : index
    %swap3A_491 = tpu.vector_load %arg8[%swap3A_490] {strides = array<i32>} : memref<128xi32, #tpu.memory_space<vmem>>, vector<16xi32>,
    tpu.vector_store %arg8[%swap3A_490], %select_n3A_489 {strides = array<i32>} : memref<128xi32, #tpu.memory_space<vmem>>, vector<16xi32>,
    %add3A_492 = arith.constant 64 : i32
    %add3A_493 = arith.addi %add3A_439, %add3A_492 : i32
    %add3A_494 = vector.broadcast %add3A_493 : i32 to vector<16xi32>
    %add3A_495 = arith.addi %add3A_494, %iota3A : vector<16xi32>
    %lt3A_496 = vector.broadcast %reduce_sum3A_83 : i32 to vector<16xi32>
    %lt3A_497 = arith.cmpi slt, %add3A_495, %lt3A_496 : vector<16xi32>
    %add3A_498 = vector.broadcast %reduce_sum3A_90 : i32 to vector<16xi32>
    %add3A_499 = arith.addi %add3A_498, %add3A_495 : vector<16xi32>
    %jit3A_500 = arith.constant 32768 : i32
    %broadcast_in_dim3A_501 = vector.broadcast %jit3A_500 : i32 to vector<16xi32>
    %select_n3A_502 = arith.select %lt3A_497, %add3A_499, %broadcast_in_dim3A_501 : vector<16xi1>, vector<16xi32>
    %swap3A_503 = arith.constant 64 : index
    %swap3A_504 = tpu.vector_load %arg8[%swap3A_503] {strides = array<i32>} : memref<128xi32, #tpu.memory_space<vmem>>, vector<16xi32>,
    tpu.vector_store %arg8[%swap3A_503], %select_n3A_502 {strides = array<i32>} : memref<128xi32, #tpu.memory_space<vmem>>, vector<16xi32>,
    %add3A_505 = arith.constant 80 : i32
    %add3A_506 = arith.addi %add3A_439, %add3A_505 : i32
    %add3A_507 = vector.broadcast %add3A_506 : i32 to vector<16xi32>
    %add3A_508 = arith.addi %add3A_507, %iota3A : vector<16xi32>
    %lt3A_509 = vector.broadcast %reduce_sum3A_83 : i32 to vector<16xi32>
    %lt3A_510 = arith.cmpi slt, %add3A_508, %lt3A_509 : vector<16xi32>
    %add3A_511 = vector.broadcast %reduce_sum3A_90 : i32 to vector<16xi32>
    %add3A_512 = arith.addi %add3A_511, %add3A_508 : vector<16xi32>
    %jit3A_513 = arith.constant 32768 : i32
    %broadcast_in_dim3A_514 = vector.broadcast %jit3A_513 : i32 to vector<16xi32>
    %select_n3A_515 = arith.select %lt3A_510, %add3A_512, %broadcast_in_dim3A_514 : vector<16xi1>, vector<16xi32>
    %swap3A_516 = arith.constant 80 : index
    %swap3A_517 = tpu.vector_load %arg8[%swap3A_516] {strides = array<i32>} : memref<128xi32, #tpu.memory_space<vmem>>, vector<16xi32>,
    tpu.vector_store %arg8[%swap3A_516], %select_n3A_515 {strides = array<i32>} : memref<128xi32, #tpu.memory_space<vmem>>, vector<16xi32>,
    %add3A_518 = arith.constant 96 : i32
    %add3A_519 = arith.addi %add3A_439, %add3A_518 : i32
    %add3A_520 = vector.broadcast %add3A_519 : i32 to vector<16xi32>
    %add3A_521 = arith.addi %add3A_520, %iota3A : vector<16xi32>
    %lt3A_522 = vector.broadcast %reduce_sum3A_83 : i32 to vector<16xi32>
    %lt3A_523 = arith.cmpi slt, %add3A_521, %lt3A_522 : vector<16xi32>
    %add3A_524 = vector.broadcast %reduce_sum3A_90 : i32 to vector<16xi32>
    %add3A_525 = arith.addi %add3A_524, %add3A_521 : vector<16xi32>
    %jit3A_526 = arith.constant 32768 : i32
    %broadcast_in_dim3A_527 = vector.broadcast %jit3A_526 : i32 to vector<16xi32>
    %select_n3A_528 = arith.select %lt3A_523, %add3A_525, %broadcast_in_dim3A_527 : vector<16xi1>, vector<16xi32>
    %swap3A_529 = arith.constant 96 : index
    %swap3A_530 = tpu.vector_load %arg8[%swap3A_529] {strides = array<i32>} : memref<128xi32, #tpu.memory_space<vmem>>, vector<16xi32>,
    tpu.vector_store %arg8[%swap3A_529], %select_n3A_528 {strides = array<i32>} : memref<128xi32, #tpu.memory_space<vmem>>, vector<16xi32>,
    %add3A_531 = arith.constant 112 : i32
    %add3A_532 = arith.addi %add3A_439, %add3A_531 : i32
    %add3A_533 = vector.broadcast %add3A_532 : i32 to vector<16xi32>
    %add3A_534 = arith.addi %add3A_533, %iota3A : vector<16xi32>
    %lt3A_535 = vector.broadcast %reduce_sum3A_83 : i32 to vector<16xi32>
    %lt3A_536 = arith.cmpi slt, %add3A_534, %lt3A_535 : vector<16xi32>
    %add3A_537 = vector.broadcast %reduce_sum3A_90 : i32 to vector<16xi32>
    %add3A_538 = arith.addi %add3A_537, %add3A_534 : vector<16xi32>
    %jit3A_539 = arith.constant 32768 : i32
    %broadcast_in_dim3A_540 = vector.broadcast %jit3A_539 : i32 to vector<16xi32>
    %select_n3A_541 = arith.select %lt3A_536, %add3A_538, %broadcast_in_dim3A_540 : vector<16xi1>, vector<16xi32>
    %swap3A_542 = arith.constant 112 : index
    %swap3A_543 = tpu.vector_load %arg8[%swap3A_542] {strides = array<i32>} : memref<128xi32, #tpu.memory_space<vmem>>, vector<16xi32>,
    tpu.vector_store %arg8[%swap3A_542], %select_n3A_541 {strides = array<i32>} : memref<128xi32, #tpu.memory_space<vmem>>, vector<16xi32>,
    %dma_start3A_544 = arith.constant 0 : i32
    %dma_start3A_545 = arith.constant 0 : i32
    %dma_start3A_546 = tpu.memref_slice %arg2[%dma_start3A_544, %dma_start3A_545] : memref<33280x128xf32, #tpu.memory_space<hbm>> -> memref<33280x128xf32, #tpu.memory_space<hbm>>
    tpu.enqueue_indirect_dma source(%dma_start3A_546 : memref<33280x128xf32, #tpu.memory_space<hbm>>) target(%arg9 : memref<128x128xf32, #tpu.memory_space<vmem>>) offsets(%arg8 : memref<128xi32, #tpu.memory_space<vmem>>) semaphore(%arg11 : memref<!tpu.dma_semaphore, #tpu.memory_space<semaphore_mem>>)
    %dma_wait3A_547 = arith.constant 0 : i32
    %dma_wait3A_548 = arith.constant 0 : i32
    %dma_wait3A_549 = tpu.memref_slice %arg2[%dma_wait3A_547, %dma_wait3A_548] : memref<33280x128xf32, #tpu.memory_space<hbm>> -> memref<33280x128xf32, #tpu.memory_space<hbm>>
    tpu.wait_indirect_dma semaphore(%arg11 : memref<!tpu.dma_semaphore, #tpu.memory_space<semaphore_mem>>) src(%dma_wait3A_549 : memref<33280x128xf32, #tpu.memory_space<hbm>>) dst(%arg9 : memref<128x128xf32, #tpu.memory_space<vmem>>)
    %add3A_550 = arith.constant 384 : i32
    %add3A_551 = arith.addi %add3A_75, %add3A_550 : i32
    "tpu.region"() ({
      %run_scoped3A = tpu.sem_alloc : memref<!tpu.dma_semaphore, #tpu.memory_space<semaphore_mem>>
      %dma_start3A_1019 = arith.constant 0 : i32
      %dma_start3A_1020 = tpu.memref_slice %arg5[%select_n3A_54, %add3A_551, %dma_start3A_1019] : memref<4x8193x128xf32, #tpu.memory_space<hbm>> -> memref<1x128x128xf32, #tpu.memory_space<hbm>>
      %dma_start3A_1021 = tpu.memref_squeeze %dma_start3A_1020 : memref<1x128x128xf32, #tpu.memory_space<hbm>> -> memref<128x128xf32, #tpu.memory_space<hbm>>
      %dma_start3A_1022 = arith.constant 0 : i32
      %dma_start3A_1023 = tpu.memref_slice %arg5[%select_n3A_54, %add3A_551, %dma_start3A_1022] : memref<4x8193x128xf32, #tpu.memory_space<hbm>> -> memref<1x128x128xf32, #tpu.memory_space<hbm>>
      %dma_start3A_1024 = tpu.memref_squeeze %dma_start3A_1023 : memref<1x128x128xf32, #tpu.memory_space<hbm>> -> memref<128x128xf32, #tpu.memory_space<hbm>>
      tpu.enqueue_dma source(%arg9 : memref<128x128xf32, #tpu.memory_space<vmem>>) target(%dma_start3A_1024 : memref<128x128xf32, #tpu.memory_space<hbm>>) target_semaphore(%run_scoped3A : memref<!tpu.dma_semaphore, #tpu.memory_space<semaphore_mem>>)
      %dma_wait3A_1025 = arith.constant 0 : i32
      %dma_wait3A_1026 = tpu.memref_slice %arg5[%select_n3A_54, %add3A_551, %dma_wait3A_1025] : memref<4x8193x128xf32, #tpu.memory_space<hbm>> -> memref<1x128x128xf32, #tpu.memory_space<hbm>>
      %dma_wait3A_1027 = tpu.memref_squeeze %dma_wait3A_1026 : memref<1x128x128xf32, #tpu.memory_space<hbm>> -> memref<128x128xf32, #tpu.memory_space<hbm>>
      %dma_wait3A_1028 = arith.constant 0 : i32
      %dma_wait3A_1029 = tpu.memref_slice %arg5[%select_n3A_54, %add3A_551, %dma_wait3A_1028] : memref<4x8193x128xf32, #tpu.memory_space<hbm>> -> memref<1x128x128xf32, #tpu.memory_space<hbm>>
      %dma_wait3A_1030 = tpu.memref_squeeze %dma_wait3A_1029 : memref<1x128x128xf32, #tpu.memory_space<hbm>> -> memref<128x128xf32, #tpu.memory_space<hbm>>
      tpu.wait_dma2 semaphore(%run_scoped3A : memref<!tpu.dma_semaphore, #tpu.memory_space<semaphore_mem>>) src(%arg9 : memref<128x128xf32, #tpu.memory_space<vmem>>) dst(%dma_wait3A_1030 : memref<128x128xf32, #tpu.memory_space<hbm>>)
      tpu.yield
    }) : () -> ()
    %mul3A_552 = arith.constant 1024 : i32
    %mul3A_553 = arith.muli %select_n3A_30, %mul3A_552 : i32
    %add3A_554 = arith.constant 512 : i32
    %add3A_555 = arith.addi %mul3A_553, %add3A_554 : i32
    %add3A_556 = arith.constant 0 : i32
    %add3A_557 = arith.addi %add3A_555, %add3A_556 : i32
    %add3A_558 = vector.broadcast %add3A_557 : i32 to vector<16xi32>
    %add3A_559 = arith.addi %add3A_558, %iota3A : vector<16xi32>
    %lt3A_560 = vector.broadcast %reduce_sum3A_83 : i32 to vector<16xi32>
    %lt3A_561 = arith.cmpi slt, %add3A_559, %lt3A_560 : vector<16xi32>
    %add3A_562 = vector.broadcast %reduce_sum3A_90 : i32 to vector<16xi32>
    %add3A_563 = arith.addi %add3A_562, %add3A_559 : vector<16xi32>
    %jit3A_564 = arith.constant 32768 : i32
    %broadcast_in_dim3A_565 = vector.broadcast %jit3A_564 : i32 to vector<16xi32>
    %select_n3A_566 = arith.select %lt3A_561, %add3A_563, %broadcast_in_dim3A_565 : vector<16xi1>, vector<16xi32>
    %swap3A_567 = arith.constant 0 : index
    %swap3A_568 = tpu.vector_load %arg8[%swap3A_567] {strides = array<i32>} : memref<128xi32, #tpu.memory_space<vmem>>, vector<16xi32>,
    tpu.vector_store %arg8[%swap3A_567], %select_n3A_566 {strides = array<i32>} : memref<128xi32, #tpu.memory_space<vmem>>, vector<16xi32>,
    %add3A_569 = arith.constant 16 : i32
    %add3A_570 = arith.addi %add3A_555, %add3A_569 : i32
    %add3A_571 = vector.broadcast %add3A_570 : i32 to vector<16xi32>
    %add3A_572 = arith.addi %add3A_571, %iota3A : vector<16xi32>
    %lt3A_573 = vector.broadcast %reduce_sum3A_83 : i32 to vector<16xi32>
    %lt3A_574 = arith.cmpi slt, %add3A_572, %lt3A_573 : vector<16xi32>
    %add3A_575 = vector.broadcast %reduce_sum3A_90 : i32 to vector<16xi32>
    %add3A_576 = arith.addi %add3A_575, %add3A_572 : vector<16xi32>
    %jit3A_577 = arith.constant 32768 : i32
    %broadcast_in_dim3A_578 = vector.broadcast %jit3A_577 : i32 to vector<16xi32>
    %select_n3A_579 = arith.select %lt3A_574, %add3A_576, %broadcast_in_dim3A_578 : vector<16xi1>, vector<16xi32>
    %swap3A_580 = arith.constant 16 : index
    %swap3A_581 = tpu.vector_load %arg8[%swap3A_580] {strides = array<i32>} : memref<128xi32, #tpu.memory_space<vmem>>, vector<16xi32>,
    tpu.vector_store %arg8[%swap3A_580], %select_n3A_579 {strides = array<i32>} : memref<128xi32, #tpu.memory_space<vmem>>, vector<16xi32>,
    %add3A_582 = arith.constant 32 : i32
    %add3A_583 = arith.addi %add3A_555, %add3A_582 : i32
    %add3A_584 = vector.broadcast %add3A_583 : i32 to vector<16xi32>
    %add3A_585 = arith.addi %add3A_584, %iota3A : vector<16xi32>
    %lt3A_586 = vector.broadcast %reduce_sum3A_83 : i32 to vector<16xi32>
    %lt3A_587 = arith.cmpi slt, %add3A_585, %lt3A_586 : vector<16xi32>
    %add3A_588 = vector.broadcast %reduce_sum3A_90 : i32 to vector<16xi32>
    %add3A_589 = arith.addi %add3A_588, %add3A_585 : vector<16xi32>
    %jit3A_590 = arith.constant 32768 : i32
    %broadcast_in_dim3A_591 = vector.broadcast %jit3A_590 : i32 to vector<16xi32>
    %select_n3A_592 = arith.select %lt3A_587, %add3A_589, %broadcast_in_dim3A_591 : vector<16xi1>, vector<16xi32>
    %swap3A_593 = arith.constant 32 : index
    %swap3A_594 = tpu.vector_load %arg8[%swap3A_593] {strides = array<i32>} : memref<128xi32, #tpu.memory_space<vmem>>, vector<16xi32>,
    tpu.vector_store %arg8[%swap3A_593], %select_n3A_592 {strides = array<i32>} : memref<128xi32, #tpu.memory_space<vmem>>, vector<16xi32>,
    %add3A_595 = arith.constant 48 : i32
    %add3A_596 = arith.addi %add3A_555, %add3A_595 : i32
    %add3A_597 = vector.broadcast %add3A_596 : i32 to vector<16xi32>
    %add3A_598 = arith.addi %add3A_597, %iota3A : vector<16xi32>
    %lt3A_599 = vector.broadcast %reduce_sum3A_83 : i32 to vector<16xi32>
    %lt3A_600 = arith.cmpi slt, %add3A_598, %lt3A_599 : vector<16xi32>
    %add3A_601 = vector.broadcast %reduce_sum3A_90 : i32 to vector<16xi32>
    %add3A_602 = arith.addi %add3A_601, %add3A_598 : vector<16xi32>
    %jit3A_603 = arith.constant 32768 : i32
    %broadcast_in_dim3A_604 = vector.broadcast %jit3A_603 : i32 to vector<16xi32>
    %select_n3A_605 = arith.select %lt3A_600, %add3A_602, %broadcast_in_dim3A_604 : vector<16xi1>, vector<16xi32>
    %swap3A_606 = arith.constant 48 : index
    %swap3A_607 = tpu.vector_load %arg8[%swap3A_606] {strides = array<i32>} : memref<128xi32, #tpu.memory_space<vmem>>, vector<16xi32>,
    tpu.vector_store %arg8[%swap3A_606], %select_n3A_605 {strides = array<i32>} : memref<128xi32, #tpu.memory_space<vmem>>, vector<16xi32>,
    %add3A_608 = arith.constant 64 : i32
    %add3A_609 = arith.addi %add3A_555, %add3A_608 : i32
    %add3A_610 = vector.broadcast %add3A_609 : i32 to vector<16xi32>
    %add3A_611 = arith.addi %add3A_610, %iota3A : vector<16xi32>
    %lt3A_612 = vector.broadcast %reduce_sum3A_83 : i32 to vector<16xi32>
    %lt3A_613 = arith.cmpi slt, %add3A_611, %lt3A_612 : vector<16xi32>
    %add3A_614 = vector.broadcast %reduce_sum3A_90 : i32 to vector<16xi32>
    %add3A_615 = arith.addi %add3A_614, %add3A_611 : vector<16xi32>
    %jit3A_616 = arith.constant 32768 : i32
    %broadcast_in_dim3A_617 = vector.broadcast %jit3A_616 : i32 to vector<16xi32>
    %select_n3A_618 = arith.select %lt3A_613, %add3A_615, %broadcast_in_dim3A_617 : vector<16xi1>, vector<16xi32>
    %swap3A_619 = arith.constant 64 : index
    %swap3A_620 = tpu.vector_load %arg8[%swap3A_619] {strides = array<i32>} : memref<128xi32, #tpu.memory_space<vmem>>, vector<16xi32>,
    tpu.vector_store %arg8[%swap3A_619], %select_n3A_618 {strides = array<i32>} : memref<128xi32, #tpu.memory_space<vmem>>, vector<16xi32>,
    %add3A_621 = arith.constant 80 : i32
    %add3A_622 = arith.addi %add3A_555, %add3A_621 : i32
    %add3A_623 = vector.broadcast %add3A_622 : i32 to vector<16xi32>
    %add3A_624 = arith.addi %add3A_623, %iota3A : vector<16xi32>
    %lt3A_625 = vector.broadcast %reduce_sum3A_83 : i32 to vector<16xi32>
    %lt3A_626 = arith.cmpi slt, %add3A_624, %lt3A_625 : vector<16xi32>
    %add3A_627 = vector.broadcast %reduce_sum3A_90 : i32 to vector<16xi32>
    %add3A_628 = arith.addi %add3A_627, %add3A_624 : vector<16xi32>
    %jit3A_629 = arith.constant 32768 : i32
    %broadcast_in_dim3A_630 = vector.broadcast %jit3A_629 : i32 to vector<16xi32>
    %select_n3A_631 = arith.select %lt3A_626, %add3A_628, %broadcast_in_dim3A_630 : vector<16xi1>, vector<16xi32>
    %swap3A_632 = arith.constant 80 : index
    %swap3A_633 = tpu.vector_load %arg8[%swap3A_632] {strides = array<i32>} : memref<128xi32, #tpu.memory_space<vmem>>, vector<16xi32>,
    tpu.vector_store %arg8[%swap3A_632], %select_n3A_631 {strides = array<i32>} : memref<128xi32, #tpu.memory_space<vmem>>, vector<16xi32>,
    %add3A_634 = arith.constant 96 : i32
    %add3A_635 = arith.addi %add3A_555, %add3A_634 : i32
    %add3A_636 = vector.broadcast %add3A_635 : i32 to vector<16xi32>
    %add3A_637 = arith.addi %add3A_636, %iota3A : vector<16xi32>
    %lt3A_638 = vector.broadcast %reduce_sum3A_83 : i32 to vector<16xi32>
    %lt3A_639 = arith.cmpi slt, %add3A_637, %lt3A_638 : vector<16xi32>
    %add3A_640 = vector.broadcast %reduce_sum3A_90 : i32 to vector<16xi32>
    %add3A_641 = arith.addi %add3A_640, %add3A_637 : vector<16xi32>
    %jit3A_642 = arith.constant 32768 : i32
    %broadcast_in_dim3A_643 = vector.broadcast %jit3A_642 : i32 to vector<16xi32>
    %select_n3A_644 = arith.select %lt3A_639, %add3A_641, %broadcast_in_dim3A_643 : vector<16xi1>, vector<16xi32>
    %swap3A_645 = arith.constant 96 : index
    %swap3A_646 = tpu.vector_load %arg8[%swap3A_645] {strides = array<i32>} : memref<128xi32, #tpu.memory_space<vmem>>, vector<16xi32>,
    tpu.vector_store %arg8[%swap3A_645], %select_n3A_644 {strides = array<i32>} : memref<128xi32, #tpu.memory_space<vmem>>, vector<16xi32>,
    %add3A_647 = arith.constant 112 : i32
    %add3A_648 = arith.addi %add3A_555, %add3A_647 : i32
    %add3A_649 = vector.broadcast %add3A_648 : i32 to vector<16xi32>
    %add3A_650 = arith.addi %add3A_649, %iota3A : vector<16xi32>
    %lt3A_651 = vector.broadcast %reduce_sum3A_83 : i32 to vector<16xi32>
    %lt3A_652 = arith.cmpi slt, %add3A_650, %lt3A_651 : vector<16xi32>
    %add3A_653 = vector.broadcast %reduce_sum3A_90 : i32 to vector<16xi32>
    %add3A_654 = arith.addi %add3A_653, %add3A_650 : vector<16xi32>
    %jit3A_655 = arith.constant 32768 : i32
    %broadcast_in_dim3A_656 = vector.broadcast %jit3A_655 : i32 to vector<16xi32>
    %select_n3A_657 = arith.select %lt3A_652, %add3A_654, %broadcast_in_dim3A_656 : vector<16xi1>, vector<16xi32>
    %swap3A_658 = arith.constant 112 : index
    %swap3A_659 = tpu.vector_load %arg8[%swap3A_658] {strides = array<i32>} : memref<128xi32, #tpu.memory_space<vmem>>, vector<16xi32>,
    tpu.vector_store %arg8[%swap3A_658], %select_n3A_657 {strides = array<i32>} : memref<128xi32, #tpu.memory_space<vmem>>, vector<16xi32>,
    %dma_start3A_660 = arith.constant 0 : i32
    %dma_start3A_661 = arith.constant 0 : i32
    %dma_start3A_662 = tpu.memref_slice %arg2[%dma_start3A_660, %dma_start3A_661] : memref<33280x128xf32, #tpu.memory_space<hbm>> -> memref<33280x128xf32, #tpu.memory_space<hbm>>
    tpu.enqueue_indirect_dma source(%dma_start3A_662 : memref<33280x128xf32, #tpu.memory_space<hbm>>) target(%arg9 : memref<128x128xf32, #tpu.memory_space<vmem>>) offsets(%arg8 : memref<128xi32, #tpu.memory_space<vmem>>) semaphore(%arg11 : memref<!tpu.dma_semaphore, #tpu.memory_space<semaphore_mem>>)
    %dma_wait3A_663 = arith.constant 0 : i32
    %dma_wait3A_664 = arith.constant 0 : i32
    %dma_wait3A_665 = tpu.memref_slice %arg2[%dma_wait3A_663, %dma_wait3A_664] : memref<33280x128xf32, #tpu.memory_space<hbm>> -> memref<33280x128xf32, #tpu.memory_space<hbm>>
    tpu.wait_indirect_dma semaphore(%arg11 : memref<!tpu.dma_semaphore, #tpu.memory_space<semaphore_mem>>) src(%dma_wait3A_665 : memref<33280x128xf32, #tpu.memory_space<hbm>>) dst(%arg9 : memref<128x128xf32, #tpu.memory_space<vmem>>)
    %add3A_666 = arith.constant 512 : i32
    %add3A_667 = arith.addi %add3A_75, %add3A_666 : i32
    "tpu.region"() ({
      %run_scoped3A = tpu.sem_alloc : memref<!tpu.dma_semaphore, #tpu.memory_space<semaphore_mem>>
      %dma_start3A_1019 = arith.constant 0 : i32
      %dma_start3A_1020 = tpu.memref_slice %arg5[%select_n3A_54, %add3A_667, %dma_start3A_1019] : memref<4x8193x128xf32, #tpu.memory_space<hbm>> -> memref<1x128x128xf32, #tpu.memory_space<hbm>>
      %dma_start3A_1021 = tpu.memref_squeeze %dma_start3A_1020 : memref<1x128x128xf32, #tpu.memory_space<hbm>> -> memref<128x128xf32, #tpu.memory_space<hbm>>
      %dma_start3A_1022 = arith.constant 0 : i32
      %dma_start3A_1023 = tpu.memref_slice %arg5[%select_n3A_54, %add3A_667, %dma_start3A_1022] : memref<4x8193x128xf32, #tpu.memory_space<hbm>> -> memref<1x128x128xf32, #tpu.memory_space<hbm>>
      %dma_start3A_1024 = tpu.memref_squeeze %dma_start3A_1023 : memref<1x128x128xf32, #tpu.memory_space<hbm>> -> memref<128x128xf32, #tpu.memory_space<hbm>>
      tpu.enqueue_dma source(%arg9 : memref<128x128xf32, #tpu.memory_space<vmem>>) target(%dma_start3A_1024 : memref<128x128xf32, #tpu.memory_space<hbm>>) target_semaphore(%run_scoped3A : memref<!tpu.dma_semaphore, #tpu.memory_space<semaphore_mem>>)
      %dma_wait3A_1025 = arith.constant 0 : i32
      %dma_wait3A_1026 = tpu.memref_slice %arg5[%select_n3A_54, %add3A_667, %dma_wait3A_1025] : memref<4x8193x128xf32, #tpu.memory_space<hbm>> -> memref<1x128x128xf32, #tpu.memory_space<hbm>>
      %dma_wait3A_1027 = tpu.memref_squeeze %dma_wait3A_1026 : memref<1x128x128xf32, #tpu.memory_space<hbm>> -> memref<128x128xf32, #tpu.memory_space<hbm>>
      %dma_wait3A_1028 = arith.constant 0 : i32
      %dma_wait3A_1029 = tpu.memref_slice %arg5[%select_n3A_54, %add3A_667, %dma_wait3A_1028] : memref<4x8193x128xf32, #tpu.memory_space<hbm>> -> memref<1x128x128xf32, #tpu.memory_space<hbm>>
      %dma_wait3A_1030 = tpu.memref_squeeze %dma_wait3A_1029 : memref<1x128x128xf32, #tpu.memory_space<hbm>> -> memref<128x128xf32, #tpu.memory_space<hbm>>
      tpu.wait_dma2 semaphore(%run_scoped3A : memref<!tpu.dma_semaphore, #tpu.memory_space<semaphore_mem>>) src(%arg9 : memref<128x128xf32, #tpu.memory_space<vmem>>) dst(%dma_wait3A_1030 : memref<128x128xf32, #tpu.memory_space<hbm>>)
      tpu.yield
    }) : () -> ()
    %mul3A_668 = arith.constant 1024 : i32
    %mul3A_669 = arith.muli %select_n3A_30, %mul3A_668 : i32
    %add3A_670 = arith.constant 640 : i32
    %add3A_671 = arith.addi %mul3A_669, %add3A_670 : i32
    %add3A_672 = arith.constant 0 : i32
    %add3A_673 = arith.addi %add3A_671, %add3A_672 : i32
    %add3A_674 = vector.broadcast %add3A_673 : i32 to vector<16xi32>
    %add3A_675 = arith.addi %add3A_674, %iota3A : vector<16xi32>
    %lt3A_676 = vector.broadcast %reduce_sum3A_83 : i32 to vector<16xi32>
    %lt3A_677 = arith.cmpi slt, %add3A_675, %lt3A_676 : vector<16xi32>
    %add3A_678 = vector.broadcast %reduce_sum3A_90 : i32 to vector<16xi32>
    %add3A_679 = arith.addi %add3A_678, %add3A_675 : vector<16xi32>
    %jit3A_680 = arith.constant 32768 : i32
    %broadcast_in_dim3A_681 = vector.broadcast %jit3A_680 : i32 to vector<16xi32>
    %select_n3A_682 = arith.select %lt3A_677, %add3A_679, %broadcast_in_dim3A_681 : vector<16xi1>, vector<16xi32>
    %swap3A_683 = arith.constant 0 : index
    %swap3A_684 = tpu.vector_load %arg8[%swap3A_683] {strides = array<i32>} : memref<128xi32, #tpu.memory_space<vmem>>, vector<16xi32>,
    tpu.vector_store %arg8[%swap3A_683], %select_n3A_682 {strides = array<i32>} : memref<128xi32, #tpu.memory_space<vmem>>, vector<16xi32>,
    %add3A_685 = arith.constant 16 : i32
    %add3A_686 = arith.addi %add3A_671, %add3A_685 : i32
    %add3A_687 = vector.broadcast %add3A_686 : i32 to vector<16xi32>
    %add3A_688 = arith.addi %add3A_687, %iota3A : vector<16xi32>
    %lt3A_689 = vector.broadcast %reduce_sum3A_83 : i32 to vector<16xi32>
    %lt3A_690 = arith.cmpi slt, %add3A_688, %lt3A_689 : vector<16xi32>
    %add3A_691 = vector.broadcast %reduce_sum3A_90 : i32 to vector<16xi32>
    %add3A_692 = arith.addi %add3A_691, %add3A_688 : vector<16xi32>
    %jit3A_693 = arith.constant 32768 : i32
    %broadcast_in_dim3A_694 = vector.broadcast %jit3A_693 : i32 to vector<16xi32>
    %select_n3A_695 = arith.select %lt3A_690, %add3A_692, %broadcast_in_dim3A_694 : vector<16xi1>, vector<16xi32>
    %swap3A_696 = arith.constant 16 : index
    %swap3A_697 = tpu.vector_load %arg8[%swap3A_696] {strides = array<i32>} : memref<128xi32, #tpu.memory_space<vmem>>, vector<16xi32>,
    tpu.vector_store %arg8[%swap3A_696], %select_n3A_695 {strides = array<i32>} : memref<128xi32, #tpu.memory_space<vmem>>, vector<16xi32>,
    %add3A_698 = arith.constant 32 : i32
    %add3A_699 = arith.addi %add3A_671, %add3A_698 : i32
    %add3A_700 = vector.broadcast %add3A_699 : i32 to vector<16xi32>
    %add3A_701 = arith.addi %add3A_700, %iota3A : vector<16xi32>
    %lt3A_702 = vector.broadcast %reduce_sum3A_83 : i32 to vector<16xi32>
    %lt3A_703 = arith.cmpi slt, %add3A_701, %lt3A_702 : vector<16xi32>
    %add3A_704 = vector.broadcast %reduce_sum3A_90 : i32 to vector<16xi32>
    %add3A_705 = arith.addi %add3A_704, %add3A_701 : vector<16xi32>
    %jit3A_706 = arith.constant 32768 : i32
    %broadcast_in_dim3A_707 = vector.broadcast %jit3A_706 : i32 to vector<16xi32>
    %select_n3A_708 = arith.select %lt3A_703, %add3A_705, %broadcast_in_dim3A_707 : vector<16xi1>, vector<16xi32>
    %swap3A_709 = arith.constant 32 : index
    %swap3A_710 = tpu.vector_load %arg8[%swap3A_709] {strides = array<i32>} : memref<128xi32, #tpu.memory_space<vmem>>, vector<16xi32>,
    tpu.vector_store %arg8[%swap3A_709], %select_n3A_708 {strides = array<i32>} : memref<128xi32, #tpu.memory_space<vmem>>, vector<16xi32>,
    %add3A_711 = arith.constant 48 : i32
    %add3A_712 = arith.addi %add3A_671, %add3A_711 : i32
    %add3A_713 = vector.broadcast %add3A_712 : i32 to vector<16xi32>
    %add3A_714 = arith.addi %add3A_713, %iota3A : vector<16xi32>
    %lt3A_715 = vector.broadcast %reduce_sum3A_83 : i32 to vector<16xi32>
    %lt3A_716 = arith.cmpi slt, %add3A_714, %lt3A_715 : vector<16xi32>
    %add3A_717 = vector.broadcast %reduce_sum3A_90 : i32 to vector<16xi32>
    %add3A_718 = arith.addi %add3A_717, %add3A_714 : vector<16xi32>
    %jit3A_719 = arith.constant 32768 : i32
    %broadcast_in_dim3A_720 = vector.broadcast %jit3A_719 : i32 to vector<16xi32>
    %select_n3A_721 = arith.select %lt3A_716, %add3A_718, %broadcast_in_dim3A_720 : vector<16xi1>, vector<16xi32>
    %swap3A_722 = arith.constant 48 : index
    %swap3A_723 = tpu.vector_load %arg8[%swap3A_722] {strides = array<i32>} : memref<128xi32, #tpu.memory_space<vmem>>, vector<16xi32>,
    tpu.vector_store %arg8[%swap3A_722], %select_n3A_721 {strides = array<i32>} : memref<128xi32, #tpu.memory_space<vmem>>, vector<16xi32>,
    %add3A_724 = arith.constant 64 : i32
    %add3A_725 = arith.addi %add3A_671, %add3A_724 : i32
    %add3A_726 = vector.broadcast %add3A_725 : i32 to vector<16xi32>
    %add3A_727 = arith.addi %add3A_726, %iota3A : vector<16xi32>
    %lt3A_728 = vector.broadcast %reduce_sum3A_83 : i32 to vector<16xi32>
    %lt3A_729 = arith.cmpi slt, %add3A_727, %lt3A_728 : vector<16xi32>
    %add3A_730 = vector.broadcast %reduce_sum3A_90 : i32 to vector<16xi32>
    %add3A_731 = arith.addi %add3A_730, %add3A_727 : vector<16xi32>
    %jit3A_732 = arith.constant 32768 : i32
    %broadcast_in_dim3A_733 = vector.broadcast %jit3A_732 : i32 to vector<16xi32>
    %select_n3A_734 = arith.select %lt3A_729, %add3A_731, %broadcast_in_dim3A_733 : vector<16xi1>, vector<16xi32>
    %swap3A_735 = arith.constant 64 : index
    %swap3A_736 = tpu.vector_load %arg8[%swap3A_735] {strides = array<i32>} : memref<128xi32, #tpu.memory_space<vmem>>, vector<16xi32>,
    tpu.vector_store %arg8[%swap3A_735], %select_n3A_734 {strides = array<i32>} : memref<128xi32, #tpu.memory_space<vmem>>, vector<16xi32>,
    %add3A_737 = arith.constant 80 : i32
    %add3A_738 = arith.addi %add3A_671, %add3A_737 : i32
    %add3A_739 = vector.broadcast %add3A_738 : i32 to vector<16xi32>
    %add3A_740 = arith.addi %add3A_739, %iota3A : vector<16xi32>
    %lt3A_741 = vector.broadcast %reduce_sum3A_83 : i32 to vector<16xi32>
    %lt3A_742 = arith.cmpi slt, %add3A_740, %lt3A_741 : vector<16xi32>
    %add3A_743 = vector.broadcast %reduce_sum3A_90 : i32 to vector<16xi32>
    %add3A_744 = arith.addi %add3A_743, %add3A_740 : vector<16xi32>
    %jit3A_745 = arith.constant 32768 : i32
    %broadcast_in_dim3A_746 = vector.broadcast %jit3A_745 : i32 to vector<16xi32>
    %select_n3A_747 = arith.select %lt3A_742, %add3A_744, %broadcast_in_dim3A_746 : vector<16xi1>, vector<16xi32>
    %swap3A_748 = arith.constant 80 : index
    %swap3A_749 = tpu.vector_load %arg8[%swap3A_748] {strides = array<i32>} : memref<128xi32, #tpu.memory_space<vmem>>, vector<16xi32>,
    tpu.vector_store %arg8[%swap3A_748], %select_n3A_747 {strides = array<i32>} : memref<128xi32, #tpu.memory_space<vmem>>, vector<16xi32>,
    %add3A_750 = arith.constant 96 : i32
    %add3A_751 = arith.addi %add3A_671, %add3A_750 : i32
    %add3A_752 = vector.broadcast %add3A_751 : i32 to vector<16xi32>
    %add3A_753 = arith.addi %add3A_752, %iota3A : vector<16xi32>
    %lt3A_754 = vector.broadcast %reduce_sum3A_83 : i32 to vector<16xi32>
    %lt3A_755 = arith.cmpi slt, %add3A_753, %lt3A_754 : vector<16xi32>
    %add3A_756 = vector.broadcast %reduce_sum3A_90 : i32 to vector<16xi32>
    %add3A_757 = arith.addi %add3A_756, %add3A_753 : vector<16xi32>
    %jit3A_758 = arith.constant 32768 : i32
    %broadcast_in_dim3A_759 = vector.broadcast %jit3A_758 : i32 to vector<16xi32>
    %select_n3A_760 = arith.select %lt3A_755, %add3A_757, %broadcast_in_dim3A_759 : vector<16xi1>, vector<16xi32>
    %swap3A_761 = arith.constant 96 : index
    %swap3A_762 = tpu.vector_load %arg8[%swap3A_761] {strides = array<i32>} : memref<128xi32, #tpu.memory_space<vmem>>, vector<16xi32>,
    tpu.vector_store %arg8[%swap3A_761], %select_n3A_760 {strides = array<i32>} : memref<128xi32, #tpu.memory_space<vmem>>, vector<16xi32>,
    %add3A_763 = arith.constant 112 : i32
    %add3A_764 = arith.addi %add3A_671, %add3A_763 : i32
    %add3A_765 = vector.broadcast %add3A_764 : i32 to vector<16xi32>
    %add3A_766 = arith.addi %add3A_765, %iota3A : vector<16xi32>
    %lt3A_767 = vector.broadcast %reduce_sum3A_83 : i32 to vector<16xi32>
    %lt3A_768 = arith.cmpi slt, %add3A_766, %lt3A_767 : vector<16xi32>
    %add3A_769 = vector.broadcast %reduce_sum3A_90 : i32 to vector<16xi32>
    %add3A_770 = arith.addi %add3A_769, %add3A_766 : vector<16xi32>
    %jit3A_771 = arith.constant 32768 : i32
    %broadcast_in_dim3A_772 = vector.broadcast %jit3A_771 : i32 to vector<16xi32>
    %select_n3A_773 = arith.select %lt3A_768, %add3A_770, %broadcast_in_dim3A_772 : vector<16xi1>, vector<16xi32>
    %swap3A_774 = arith.constant 112 : index
    %swap3A_775 = tpu.vector_load %arg8[%swap3A_774] {strides = array<i32>} : memref<128xi32, #tpu.memory_space<vmem>>, vector<16xi32>,
    tpu.vector_store %arg8[%swap3A_774], %select_n3A_773 {strides = array<i32>} : memref<128xi32, #tpu.memory_space<vmem>>, vector<16xi32>,
    %dma_start3A_776 = arith.constant 0 : i32
    %dma_start3A_777 = arith.constant 0 : i32
    %dma_start3A_778 = tpu.memref_slice %arg2[%dma_start3A_776, %dma_start3A_777] : memref<33280x128xf32, #tpu.memory_space<hbm>> -> memref<33280x128xf32, #tpu.memory_space<hbm>>
    tpu.enqueue_indirect_dma source(%dma_start3A_778 : memref<33280x128xf32, #tpu.memory_space<hbm>>) target(%arg9 : memref<128x128xf32, #tpu.memory_space<vmem>>) offsets(%arg8 : memref<128xi32, #tpu.memory_space<vmem>>) semaphore(%arg11 : memref<!tpu.dma_semaphore, #tpu.memory_space<semaphore_mem>>)
    %dma_wait3A_779 = arith.constant 0 : i32
    %dma_wait3A_780 = arith.constant 0 : i32
    %dma_wait3A_781 = tpu.memref_slice %arg2[%dma_wait3A_779, %dma_wait3A_780] : memref<33280x128xf32, #tpu.memory_space<hbm>> -> memref<33280x128xf32, #tpu.memory_space<hbm>>
    tpu.wait_indirect_dma semaphore(%arg11 : memref<!tpu.dma_semaphore, #tpu.memory_space<semaphore_mem>>) src(%dma_wait3A_781 : memref<33280x128xf32, #tpu.memory_space<hbm>>) dst(%arg9 : memref<128x128xf32, #tpu.memory_space<vmem>>)
    %add3A_782 = arith.constant 640 : i32
    %add3A_783 = arith.addi %add3A_75, %add3A_782 : i32
    "tpu.region"() ({
      %run_scoped3A = tpu.sem_alloc : memref<!tpu.dma_semaphore, #tpu.memory_space<semaphore_mem>>
      %dma_start3A_1019 = arith.constant 0 : i32
      %dma_start3A_1020 = tpu.memref_slice %arg5[%select_n3A_54, %add3A_783, %dma_start3A_1019] : memref<4x8193x128xf32, #tpu.memory_space<hbm>> -> memref<1x128x128xf32, #tpu.memory_space<hbm>>
      %dma_start3A_1021 = tpu.memref_squeeze %dma_start3A_1020 : memref<1x128x128xf32, #tpu.memory_space<hbm>> -> memref<128x128xf32, #tpu.memory_space<hbm>>
      %dma_start3A_1022 = arith.constant 0 : i32
      %dma_start3A_1023 = tpu.memref_slice %arg5[%select_n3A_54, %add3A_783, %dma_start3A_1022] : memref<4x8193x128xf32, #tpu.memory_space<hbm>> -> memref<1x128x128xf32, #tpu.memory_space<hbm>>
      %dma_start3A_1024 = tpu.memref_squeeze %dma_start3A_1023 : memref<1x128x128xf32, #tpu.memory_space<hbm>> -> memref<128x128xf32, #tpu.memory_space<hbm>>
      tpu.enqueue_dma source(%arg9 : memref<128x128xf32, #tpu.memory_space<vmem>>) target(%dma_start3A_1024 : memref<128x128xf32, #tpu.memory_space<hbm>>) target_semaphore(%run_scoped3A : memref<!tpu.dma_semaphore, #tpu.memory_space<semaphore_mem>>)
      %dma_wait3A_1025 = arith.constant 0 : i32
      %dma_wait3A_1026 = tpu.memref_slice %arg5[%select_n3A_54, %add3A_783, %dma_wait3A_1025] : memref<4x8193x128xf32, #tpu.memory_space<hbm>> -> memref<1x128x128xf32, #tpu.memory_space<hbm>>
      %dma_wait3A_1027 = tpu.memref_squeeze %dma_wait3A_1026 : memref<1x128x128xf32, #tpu.memory_space<hbm>> -> memref<128x128xf32, #tpu.memory_space<hbm>>
      %dma_wait3A_1028 = arith.constant 0 : i32
      %dma_wait3A_1029 = tpu.memref_slice %arg5[%select_n3A_54, %add3A_783, %dma_wait3A_1028] : memref<4x8193x128xf32, #tpu.memory_space<hbm>> -> memref<1x128x128xf32, #tpu.memory_space<hbm>>
      %dma_wait3A_1030 = tpu.memref_squeeze %dma_wait3A_1029 : memref<1x128x128xf32, #tpu.memory_space<hbm>> -> memref<128x128xf32, #tpu.memory_space<hbm>>
      tpu.wait_dma2 semaphore(%run_scoped3A : memref<!tpu.dma_semaphore, #tpu.memory_space<semaphore_mem>>) src(%arg9 : memref<128x128xf32, #tpu.memory_space<vmem>>) dst(%dma_wait3A_1030 : memref<128x128xf32, #tpu.memory_space<hbm>>)
      tpu.yield
    }) : () -> ()
    %mul3A_784 = arith.constant 1024 : i32
    %mul3A_785 = arith.muli %select_n3A_30, %mul3A_784 : i32
    %add3A_786 = arith.constant 768 : i32
    %add3A_787 = arith.addi %mul3A_785, %add3A_786 : i32
    %add3A_788 = arith.constant 0 : i32
    %add3A_789 = arith.addi %add3A_787, %add3A_788 : i32
    %add3A_790 = vector.broadcast %add3A_789 : i32 to vector<16xi32>
    %add3A_791 = arith.addi %add3A_790, %iota3A : vector<16xi32>
    %lt3A_792 = vector.broadcast %reduce_sum3A_83 : i32 to vector<16xi32>
    %lt3A_793 = arith.cmpi slt, %add3A_791, %lt3A_792 : vector<16xi32>
    %add3A_794 = vector.broadcast %reduce_sum3A_90 : i32 to vector<16xi32>
    %add3A_795 = arith.addi %add3A_794, %add3A_791 : vector<16xi32>
    %jit3A_796 = arith.constant 32768 : i32
    %broadcast_in_dim3A_797 = vector.broadcast %jit3A_796 : i32 to vector<16xi32>
    %select_n3A_798 = arith.select %lt3A_793, %add3A_795, %broadcast_in_dim3A_797 : vector<16xi1>, vector<16xi32>
    %swap3A_799 = arith.constant 0 : index
    %swap3A_800 = tpu.vector_load %arg8[%swap3A_799] {strides = array<i32>} : memref<128xi32, #tpu.memory_space<vmem>>, vector<16xi32>,
    tpu.vector_store %arg8[%swap3A_799], %select_n3A_798 {strides = array<i32>} : memref<128xi32, #tpu.memory_space<vmem>>, vector<16xi32>,
    %add3A_801 = arith.constant 16 : i32
    %add3A_802 = arith.addi %add3A_787, %add3A_801 : i32
    %add3A_803 = vector.broadcast %add3A_802 : i32 to vector<16xi32>
    %add3A_804 = arith.addi %add3A_803, %iota3A : vector<16xi32>
    %lt3A_805 = vector.broadcast %reduce_sum3A_83 : i32 to vector<16xi32>
    %lt3A_806 = arith.cmpi slt, %add3A_804, %lt3A_805 : vector<16xi32>
    %add3A_807 = vector.broadcast %reduce_sum3A_90 : i32 to vector<16xi32>
    %add3A_808 = arith.addi %add3A_807, %add3A_804 : vector<16xi32>
    %jit3A_809 = arith.constant 32768 : i32
    %broadcast_in_dim3A_810 = vector.broadcast %jit3A_809 : i32 to vector<16xi32>
    %select_n3A_811 = arith.select %lt3A_806, %add3A_808, %broadcast_in_dim3A_810 : vector<16xi1>, vector<16xi32>
    %swap3A_812 = arith.constant 16 : index
    %swap3A_813 = tpu.vector_load %arg8[%swap3A_812] {strides = array<i32>} : memref<128xi32, #tpu.memory_space<vmem>>, vector<16xi32>,
    tpu.vector_store %arg8[%swap3A_812], %select_n3A_811 {strides = array<i32>} : memref<128xi32, #tpu.memory_space<vmem>>, vector<16xi32>,
    %add3A_814 = arith.constant 32 : i32
    %add3A_815 = arith.addi %add3A_787, %add3A_814 : i32
    %add3A_816 = vector.broadcast %add3A_815 : i32 to vector<16xi32>
    %add3A_817 = arith.addi %add3A_816, %iota3A : vector<16xi32>
    %lt3A_818 = vector.broadcast %reduce_sum3A_83 : i32 to vector<16xi32>
    %lt3A_819 = arith.cmpi slt, %add3A_817, %lt3A_818 : vector<16xi32>
    %add3A_820 = vector.broadcast %reduce_sum3A_90 : i32 to vector<16xi32>
    %add3A_821 = arith.addi %add3A_820, %add3A_817 : vector<16xi32>
    %jit3A_822 = arith.constant 32768 : i32
    %broadcast_in_dim3A_823 = vector.broadcast %jit3A_822 : i32 to vector<16xi32>
    %select_n3A_824 = arith.select %lt3A_819, %add3A_821, %broadcast_in_dim3A_823 : vector<16xi1>, vector<16xi32>
    %swap3A_825 = arith.constant 32 : index
    %swap3A_826 = tpu.vector_load %arg8[%swap3A_825] {strides = array<i32>} : memref<128xi32, #tpu.memory_space<vmem>>, vector<16xi32>,
    tpu.vector_store %arg8[%swap3A_825], %select_n3A_824 {strides = array<i32>} : memref<128xi32, #tpu.memory_space<vmem>>, vector<16xi32>,
    %add3A_827 = arith.constant 48 : i32
    %add3A_828 = arith.addi %add3A_787, %add3A_827 : i32
    %add3A_829 = vector.broadcast %add3A_828 : i32 to vector<16xi32>
    %add3A_830 = arith.addi %add3A_829, %iota3A : vector<16xi32>
    %lt3A_831 = vector.broadcast %reduce_sum3A_83 : i32 to vector<16xi32>
    %lt3A_832 = arith.cmpi slt, %add3A_830, %lt3A_831 : vector<16xi32>
    %add3A_833 = vector.broadcast %reduce_sum3A_90 : i32 to vector<16xi32>
    %add3A_834 = arith.addi %add3A_833, %add3A_830 : vector<16xi32>
    %jit3A_835 = arith.constant 32768 : i32
    %broadcast_in_dim3A_836 = vector.broadcast %jit3A_835 : i32 to vector<16xi32>
    %select_n3A_837 = arith.select %lt3A_832, %add3A_834, %broadcast_in_dim3A_836 : vector<16xi1>, vector<16xi32>
    %swap3A_838 = arith.constant 48 : index
    %swap3A_839 = tpu.vector_load %arg8[%swap3A_838] {strides = array<i32>} : memref<128xi32, #tpu.memory_space<vmem>>, vector<16xi32>,
    tpu.vector_store %arg8[%swap3A_838], %select_n3A_837 {strides = array<i32>} : memref<128xi32, #tpu.memory_space<vmem>>, vector<16xi32>,
    %add3A_840 = arith.constant 64 : i32
    %add3A_841 = arith.addi %add3A_787, %add3A_840 : i32
    %add3A_842 = vector.broadcast %add3A_841 : i32 to vector<16xi32>
    %add3A_843 = arith.addi %add3A_842, %iota3A : vector<16xi32>
    %lt3A_844 = vector.broadcast %reduce_sum3A_83 : i32 to vector<16xi32>
    %lt3A_845 = arith.cmpi slt, %add3A_843, %lt3A_844 : vector<16xi32>
    %add3A_846 = vector.broadcast %reduce_sum3A_90 : i32 to vector<16xi32>
    %add3A_847 = arith.addi %add3A_846, %add3A_843 : vector<16xi32>
    %jit3A_848 = arith.constant 32768 : i32
    %broadcast_in_dim3A_849 = vector.broadcast %jit3A_848 : i32 to vector<16xi32>
    %select_n3A_850 = arith.select %lt3A_845, %add3A_847, %broadcast_in_dim3A_849 : vector<16xi1>, vector<16xi32>
    %swap3A_851 = arith.constant 64 : index
    %swap3A_852 = tpu.vector_load %arg8[%swap3A_851] {strides = array<i32>} : memref<128xi32, #tpu.memory_space<vmem>>, vector<16xi32>,
    tpu.vector_store %arg8[%swap3A_851], %select_n3A_850 {strides = array<i32>} : memref<128xi32, #tpu.memory_space<vmem>>, vector<16xi32>,
    %add3A_853 = arith.constant 80 : i32
    %add3A_854 = arith.addi %add3A_787, %add3A_853 : i32
    %add3A_855 = vector.broadcast %add3A_854 : i32 to vector<16xi32>
    %add3A_856 = arith.addi %add3A_855, %iota3A : vector<16xi32>
    %lt3A_857 = vector.broadcast %reduce_sum3A_83 : i32 to vector<16xi32>
    %lt3A_858 = arith.cmpi slt, %add3A_856, %lt3A_857 : vector<16xi32>
    %add3A_859 = vector.broadcast %reduce_sum3A_90 : i32 to vector<16xi32>
    %add3A_860 = arith.addi %add3A_859, %add3A_856 : vector<16xi32>
    %jit3A_861 = arith.constant 32768 : i32
    %broadcast_in_dim3A_862 = vector.broadcast %jit3A_861 : i32 to vector<16xi32>
    %select_n3A_863 = arith.select %lt3A_858, %add3A_860, %broadcast_in_dim3A_862 : vector<16xi1>, vector<16xi32>
    %swap3A_864 = arith.constant 80 : index
    %swap3A_865 = tpu.vector_load %arg8[%swap3A_864] {strides = array<i32>} : memref<128xi32, #tpu.memory_space<vmem>>, vector<16xi32>,
    tpu.vector_store %arg8[%swap3A_864], %select_n3A_863 {strides = array<i32>} : memref<128xi32, #tpu.memory_space<vmem>>, vector<16xi32>,
    %add3A_866 = arith.constant 96 : i32
    %add3A_867 = arith.addi %add3A_787, %add3A_866 : i32
    %add3A_868 = vector.broadcast %add3A_867 : i32 to vector<16xi32>
    %add3A_869 = arith.addi %add3A_868, %iota3A : vector<16xi32>
    %lt3A_870 = vector.broadcast %reduce_sum3A_83 : i32 to vector<16xi32>
    %lt3A_871 = arith.cmpi slt, %add3A_869, %lt3A_870 : vector<16xi32>
    %add3A_872 = vector.broadcast %reduce_sum3A_90 : i32 to vector<16xi32>
    %add3A_873 = arith.addi %add3A_872, %add3A_869 : vector<16xi32>
    %jit3A_874 = arith.constant 32768 : i32
    %broadcast_in_dim3A_875 = vector.broadcast %jit3A_874 : i32 to vector<16xi32>
    %select_n3A_876 = arith.select %lt3A_871, %add3A_873, %broadcast_in_dim3A_875 : vector<16xi1>, vector<16xi32>
    %swap3A_877 = arith.constant 96 : index
    %swap3A_878 = tpu.vector_load %arg8[%swap3A_877] {strides = array<i32>} : memref<128xi32, #tpu.memory_space<vmem>>, vector<16xi32>,
    tpu.vector_store %arg8[%swap3A_877], %select_n3A_876 {strides = array<i32>} : memref<128xi32, #tpu.memory_space<vmem>>, vector<16xi32>,
    %add3A_879 = arith.constant 112 : i32
    %add3A_880 = arith.addi %add3A_787, %add3A_879 : i32
    %add3A_881 = vector.broadcast %add3A_880 : i32 to vector<16xi32>
    %add3A_882 = arith.addi %add3A_881, %iota3A : vector<16xi32>
    %lt3A_883 = vector.broadcast %reduce_sum3A_83 : i32 to vector<16xi32>
    %lt3A_884 = arith.cmpi slt, %add3A_882, %lt3A_883 : vector<16xi32>
    %add3A_885 = vector.broadcast %reduce_sum3A_90 : i32 to vector<16xi32>
    %add3A_886 = arith.addi %add3A_885, %add3A_882 : vector<16xi32>
    %jit3A_887 = arith.constant 32768 : i32
    %broadcast_in_dim3A_888 = vector.broadcast %jit3A_887 : i32 to vector<16xi32>
    %select_n3A_889 = arith.select %lt3A_884, %add3A_886, %broadcast_in_dim3A_888 : vector<16xi1>, vector<16xi32>
    %swap3A_890 = arith.constant 112 : index
    %swap3A_891 = tpu.vector_load %arg8[%swap3A_890] {strides = array<i32>} : memref<128xi32, #tpu.memory_space<vmem>>, vector<16xi32>,
    tpu.vector_store %arg8[%swap3A_890], %select_n3A_889 {strides = array<i32>} : memref<128xi32, #tpu.memory_space<vmem>>, vector<16xi32>,
    %dma_start3A_892 = arith.constant 0 : i32
    %dma_start3A_893 = arith.constant 0 : i32
    %dma_start3A_894 = tpu.memref_slice %arg2[%dma_start3A_892, %dma_start3A_893] : memref<33280x128xf32, #tpu.memory_space<hbm>> -> memref<33280x128xf32, #tpu.memory_space<hbm>>
    tpu.enqueue_indirect_dma source(%dma_start3A_894 : memref<33280x128xf32, #tpu.memory_space<hbm>>) target(%arg9 : memref<128x128xf32, #tpu.memory_space<vmem>>) offsets(%arg8 : memref<128xi32, #tpu.memory_space<vmem>>) semaphore(%arg11 : memref<!tpu.dma_semaphore, #tpu.memory_space<semaphore_mem>>)
    %dma_wait3A_895 = arith.constant 0 : i32
    %dma_wait3A_896 = arith.constant 0 : i32
    %dma_wait3A_897 = tpu.memref_slice %arg2[%dma_wait3A_895, %dma_wait3A_896] : memref<33280x128xf32, #tpu.memory_space<hbm>> -> memref<33280x128xf32, #tpu.memory_space<hbm>>
    tpu.wait_indirect_dma semaphore(%arg11 : memref<!tpu.dma_semaphore, #tpu.memory_space<semaphore_mem>>) src(%dma_wait3A_897 : memref<33280x128xf32, #tpu.memory_space<hbm>>) dst(%arg9 : memref<128x128xf32, #tpu.memory_space<vmem>>)
    %add3A_898 = arith.constant 768 : i32
    %add3A_899 = arith.addi %add3A_75, %add3A_898 : i32
    "tpu.region"() ({
      %run_scoped3A = tpu.sem_alloc : memref<!tpu.dma_semaphore, #tpu.memory_space<semaphore_mem>>
      %dma_start3A_1019 = arith.constant 0 : i32
      %dma_start3A_1020 = tpu.memref_slice %arg5[%select_n3A_54, %add3A_899, %dma_start3A_1019] : memref<4x8193x128xf32, #tpu.memory_space<hbm>> -> memref<1x128x128xf32, #tpu.memory_space<hbm>>
      %dma_start3A_1021 = tpu.memref_squeeze %dma_start3A_1020 : memref<1x128x128xf32, #tpu.memory_space<hbm>> -> memref<128x128xf32, #tpu.memory_space<hbm>>
      %dma_start3A_1022 = arith.constant 0 : i32
      %dma_start3A_1023 = tpu.memref_slice %arg5[%select_n3A_54, %add3A_899, %dma_start3A_1022] : memref<4x8193x128xf32, #tpu.memory_space<hbm>> -> memref<1x128x128xf32, #tpu.memory_space<hbm>>
      %dma_start3A_1024 = tpu.memref_squeeze %dma_start3A_1023 : memref<1x128x128xf32, #tpu.memory_space<hbm>> -> memref<128x128xf32, #tpu.memory_space<hbm>>
      tpu.enqueue_dma source(%arg9 : memref<128x128xf32, #tpu.memory_space<vmem>>) target(%dma_start3A_1024 : memref<128x128xf32, #tpu.memory_space<hbm>>) target_semaphore(%run_scoped3A : memref<!tpu.dma_semaphore, #tpu.memory_space<semaphore_mem>>)
      %dma_wait3A_1025 = arith.constant 0 : i32
      %dma_wait3A_1026 = tpu.memref_slice %arg5[%select_n3A_54, %add3A_899, %dma_wait3A_1025] : memref<4x8193x128xf32, #tpu.memory_space<hbm>> -> memref<1x128x128xf32, #tpu.memory_space<hbm>>
      %dma_wait3A_1027 = tpu.memref_squeeze %dma_wait3A_1026 : memref<1x128x128xf32, #tpu.memory_space<hbm>> -> memref<128x128xf32, #tpu.memory_space<hbm>>
      %dma_wait3A_1028 = arith.constant 0 : i32
      %dma_wait3A_1029 = tpu.memref_slice %arg5[%select_n3A_54, %add3A_899, %dma_wait3A_1028] : memref<4x8193x128xf32, #tpu.memory_space<hbm>> -> memref<1x128x128xf32, #tpu.memory_space<hbm>>
      %dma_wait3A_1030 = tpu.memref_squeeze %dma_wait3A_1029 : memref<1x128x128xf32, #tpu.memory_space<hbm>> -> memref<128x128xf32, #tpu.memory_space<hbm>>
      tpu.wait_dma2 semaphore(%run_scoped3A : memref<!tpu.dma_semaphore, #tpu.memory_space<semaphore_mem>>) src(%arg9 : memref<128x128xf32, #tpu.memory_space<vmem>>) dst(%dma_wait3A_1030 : memref<128x128xf32, #tpu.memory_space<hbm>>)
      tpu.yield
    }) : () -> ()
    %mul3A_900 = arith.constant 1024 : i32
    %mul3A_901 = arith.muli %select_n3A_30, %mul3A_900 : i32
    %add3A_902 = arith.constant 896 : i32
    %add3A_903 = arith.addi %mul3A_901, %add3A_902 : i32
    %add3A_904 = arith.constant 0 : i32
    %add3A_905 = arith.addi %add3A_903, %add3A_904 : i32
    %add3A_906 = vector.broadcast %add3A_905 : i32 to vector<16xi32>
    %add3A_907 = arith.addi %add3A_906, %iota3A : vector<16xi32>
    %lt3A_908 = vector.broadcast %reduce_sum3A_83 : i32 to vector<16xi32>
    %lt3A_909 = arith.cmpi slt, %add3A_907, %lt3A_908 : vector<16xi32>
    %add3A_910 = vector.broadcast %reduce_sum3A_90 : i32 to vector<16xi32>
    %add3A_911 = arith.addi %add3A_910, %add3A_907 : vector<16xi32>
    %jit3A_912 = arith.constant 32768 : i32
    %broadcast_in_dim3A_913 = vector.broadcast %jit3A_912 : i32 to vector<16xi32>
    %select_n3A_914 = arith.select %lt3A_909, %add3A_911, %broadcast_in_dim3A_913 : vector<16xi1>, vector<16xi32>
    %swap3A_915 = arith.constant 0 : index
    %swap3A_916 = tpu.vector_load %arg8[%swap3A_915] {strides = array<i32>} : memref<128xi32, #tpu.memory_space<vmem>>, vector<16xi32>,
    tpu.vector_store %arg8[%swap3A_915], %select_n3A_914 {strides = array<i32>} : memref<128xi32, #tpu.memory_space<vmem>>, vector<16xi32>,
    %add3A_917 = arith.constant 16 : i32
    %add3A_918 = arith.addi %add3A_903, %add3A_917 : i32
    %add3A_919 = vector.broadcast %add3A_918 : i32 to vector<16xi32>
    %add3A_920 = arith.addi %add3A_919, %iota3A : vector<16xi32>
    %lt3A_921 = vector.broadcast %reduce_sum3A_83 : i32 to vector<16xi32>
    %lt3A_922 = arith.cmpi slt, %add3A_920, %lt3A_921 : vector<16xi32>
    %add3A_923 = vector.broadcast %reduce_sum3A_90 : i32 to vector<16xi32>
    %add3A_924 = arith.addi %add3A_923, %add3A_920 : vector<16xi32>
    %jit3A_925 = arith.constant 32768 : i32
    %broadcast_in_dim3A_926 = vector.broadcast %jit3A_925 : i32 to vector<16xi32>
    %select_n3A_927 = arith.select %lt3A_922, %add3A_924, %broadcast_in_dim3A_926 : vector<16xi1>, vector<16xi32>
    %swap3A_928 = arith.constant 16 : index
    %swap3A_929 = tpu.vector_load %arg8[%swap3A_928] {strides = array<i32>} : memref<128xi32, #tpu.memory_space<vmem>>, vector<16xi32>,
    tpu.vector_store %arg8[%swap3A_928], %select_n3A_927 {strides = array<i32>} : memref<128xi32, #tpu.memory_space<vmem>>, vector<16xi32>,
    %add3A_930 = arith.constant 32 : i32
    %add3A_931 = arith.addi %add3A_903, %add3A_930 : i32
    %add3A_932 = vector.broadcast %add3A_931 : i32 to vector<16xi32>
    %add3A_933 = arith.addi %add3A_932, %iota3A : vector<16xi32>
    %lt3A_934 = vector.broadcast %reduce_sum3A_83 : i32 to vector<16xi32>
    %lt3A_935 = arith.cmpi slt, %add3A_933, %lt3A_934 : vector<16xi32>
    %add3A_936 = vector.broadcast %reduce_sum3A_90 : i32 to vector<16xi32>
    %add3A_937 = arith.addi %add3A_936, %add3A_933 : vector<16xi32>
    %jit3A_938 = arith.constant 32768 : i32
    %broadcast_in_dim3A_939 = vector.broadcast %jit3A_938 : i32 to vector<16xi32>
    %select_n3A_940 = arith.select %lt3A_935, %add3A_937, %broadcast_in_dim3A_939 : vector<16xi1>, vector<16xi32>
    %swap3A_941 = arith.constant 32 : index
    %swap3A_942 = tpu.vector_load %arg8[%swap3A_941] {strides = array<i32>} : memref<128xi32, #tpu.memory_space<vmem>>, vector<16xi32>,
    tpu.vector_store %arg8[%swap3A_941], %select_n3A_940 {strides = array<i32>} : memref<128xi32, #tpu.memory_space<vmem>>, vector<16xi32>,
    %add3A_943 = arith.constant 48 : i32
    %add3A_944 = arith.addi %add3A_903, %add3A_943 : i32
    %add3A_945 = vector.broadcast %add3A_944 : i32 to vector<16xi32>
    %add3A_946 = arith.addi %add3A_945, %iota3A : vector<16xi32>
    %lt3A_947 = vector.broadcast %reduce_sum3A_83 : i32 to vector<16xi32>
    %lt3A_948 = arith.cmpi slt, %add3A_946, %lt3A_947 : vector<16xi32>
    %add3A_949 = vector.broadcast %reduce_sum3A_90 : i32 to vector<16xi32>
    %add3A_950 = arith.addi %add3A_949, %add3A_946 : vector<16xi32>
    %jit3A_951 = arith.constant 32768 : i32
    %broadcast_in_dim3A_952 = vector.broadcast %jit3A_951 : i32 to vector<16xi32>
    %select_n3A_953 = arith.select %lt3A_948, %add3A_950, %broadcast_in_dim3A_952 : vector<16xi1>, vector<16xi32>
    %swap3A_954 = arith.constant 48 : index
    %swap3A_955 = tpu.vector_load %arg8[%swap3A_954] {strides = array<i32>} : memref<128xi32, #tpu.memory_space<vmem>>, vector<16xi32>,
    tpu.vector_store %arg8[%swap3A_954], %select_n3A_953 {strides = array<i32>} : memref<128xi32, #tpu.memory_space<vmem>>, vector<16xi32>,
    %add3A_956 = arith.constant 64 : i32
    %add3A_957 = arith.addi %add3A_903, %add3A_956 : i32
    %add3A_958 = vector.broadcast %add3A_957 : i32 to vector<16xi32>
    %add3A_959 = arith.addi %add3A_958, %iota3A : vector<16xi32>
    %lt3A_960 = vector.broadcast %reduce_sum3A_83 : i32 to vector<16xi32>
    %lt3A_961 = arith.cmpi slt, %add3A_959, %lt3A_960 : vector<16xi32>
    %add3A_962 = vector.broadcast %reduce_sum3A_90 : i32 to vector<16xi32>
    %add3A_963 = arith.addi %add3A_962, %add3A_959 : vector<16xi32>
    %jit3A_964 = arith.constant 32768 : i32
    %broadcast_in_dim3A_965 = vector.broadcast %jit3A_964 : i32 to vector<16xi32>
    %select_n3A_966 = arith.select %lt3A_961, %add3A_963, %broadcast_in_dim3A_965 : vector<16xi1>, vector<16xi32>
    %swap3A_967 = arith.constant 64 : index
    %swap3A_968 = tpu.vector_load %arg8[%swap3A_967] {strides = array<i32>} : memref<128xi32, #tpu.memory_space<vmem>>, vector<16xi32>,
    tpu.vector_store %arg8[%swap3A_967], %select_n3A_966 {strides = array<i32>} : memref<128xi32, #tpu.memory_space<vmem>>, vector<16xi32>,
    %add3A_969 = arith.constant 80 : i32
    %add3A_970 = arith.addi %add3A_903, %add3A_969 : i32
    %add3A_971 = vector.broadcast %add3A_970 : i32 to vector<16xi32>
    %add3A_972 = arith.addi %add3A_971, %iota3A : vector<16xi32>
    %lt3A_973 = vector.broadcast %reduce_sum3A_83 : i32 to vector<16xi32>
    %lt3A_974 = arith.cmpi slt, %add3A_972, %lt3A_973 : vector<16xi32>
    %add3A_975 = vector.broadcast %reduce_sum3A_90 : i32 to vector<16xi32>
    %add3A_976 = arith.addi %add3A_975, %add3A_972 : vector<16xi32>
    %jit3A_977 = arith.constant 32768 : i32
    %broadcast_in_dim3A_978 = vector.broadcast %jit3A_977 : i32 to vector<16xi32>
    %select_n3A_979 = arith.select %lt3A_974, %add3A_976, %broadcast_in_dim3A_978 : vector<16xi1>, vector<16xi32>
    %swap3A_980 = arith.constant 80 : index
    %swap3A_981 = tpu.vector_load %arg8[%swap3A_980] {strides = array<i32>} : memref<128xi32, #tpu.memory_space<vmem>>, vector<16xi32>,
    tpu.vector_store %arg8[%swap3A_980], %select_n3A_979 {strides = array<i32>} : memref<128xi32, #tpu.memory_space<vmem>>, vector<16xi32>,
    %add3A_982 = arith.constant 96 : i32
    %add3A_983 = arith.addi %add3A_903, %add3A_982 : i32
    %add3A_984 = vector.broadcast %add3A_983 : i32 to vector<16xi32>
    %add3A_985 = arith.addi %add3A_984, %iota3A : vector<16xi32>
    %lt3A_986 = vector.broadcast %reduce_sum3A_83 : i32 to vector<16xi32>
    %lt3A_987 = arith.cmpi slt, %add3A_985, %lt3A_986 : vector<16xi32>
    %add3A_988 = vector.broadcast %reduce_sum3A_90 : i32 to vector<16xi32>
    %add3A_989 = arith.addi %add3A_988, %add3A_985 : vector<16xi32>
    %jit3A_990 = arith.constant 32768 : i32
    %broadcast_in_dim3A_991 = vector.broadcast %jit3A_990 : i32 to vector<16xi32>
    %select_n3A_992 = arith.select %lt3A_987, %add3A_989, %broadcast_in_dim3A_991 : vector<16xi1>, vector<16xi32>
    %swap3A_993 = arith.constant 96 : index
    %swap3A_994 = tpu.vector_load %arg8[%swap3A_993] {strides = array<i32>} : memref<128xi32, #tpu.memory_space<vmem>>, vector<16xi32>,
    tpu.vector_store %arg8[%swap3A_993], %select_n3A_992 {strides = array<i32>} : memref<128xi32, #tpu.memory_space<vmem>>, vector<16xi32>,
    %add3A_995 = arith.constant 112 : i32
    %add3A_996 = arith.addi %add3A_903, %add3A_995 : i32
    %add3A_997 = vector.broadcast %add3A_996 : i32 to vector<16xi32>
    %add3A_998 = arith.addi %add3A_997, %iota3A : vector<16xi32>
    %lt3A_999 = vector.broadcast %reduce_sum3A_83 : i32 to vector<16xi32>
    %lt3A_1000 = arith.cmpi slt, %add3A_998, %lt3A_999 : vector<16xi32>
    %add3A_1001 = vector.broadcast %reduce_sum3A_90 : i32 to vector<16xi32>
    %add3A_1002 = arith.addi %add3A_1001, %add3A_998 : vector<16xi32>
    %jit3A_1003 = arith.constant 32768 : i32
    %broadcast_in_dim3A_1004 = vector.broadcast %jit3A_1003 : i32 to vector<16xi32>
    %select_n3A_1005 = arith.select %lt3A_1000, %add3A_1002, %broadcast_in_dim3A_1004 : vector<16xi1>, vector<16xi32>
    %swap3A_1006 = arith.constant 112 : index
    %swap3A_1007 = tpu.vector_load %arg8[%swap3A_1006] {strides = array<i32>} : memref<128xi32, #tpu.memory_space<vmem>>, vector<16xi32>,
    tpu.vector_store %arg8[%swap3A_1006], %select_n3A_1005 {strides = array<i32>} : memref<128xi32, #tpu.memory_space<vmem>>, vector<16xi32>,
    %dma_start3A_1008 = arith.constant 0 : i32
    %dma_start3A_1009 = arith.constant 0 : i32
    %dma_start3A_1010 = tpu.memref_slice %arg2[%dma_start3A_1008, %dma_start3A_1009] : memref<33280x128xf32, #tpu.memory_space<hbm>> -> memref<33280x128xf32, #tpu.memory_space<hbm>>
    tpu.enqueue_indirect_dma source(%dma_start3A_1010 : memref<33280x128xf32, #tpu.memory_space<hbm>>) target(%arg9 : memref<128x128xf32, #tpu.memory_space<vmem>>) offsets(%arg8 : memref<128xi32, #tpu.memory_space<vmem>>) semaphore(%arg11 : memref<!tpu.dma_semaphore, #tpu.memory_space<semaphore_mem>>)
    %dma_wait3A_1011 = arith.constant 0 : i32
    %dma_wait3A_1012 = arith.constant 0 : i32
    %dma_wait3A_1013 = tpu.memref_slice %arg2[%dma_wait3A_1011, %dma_wait3A_1012] : memref<33280x128xf32, #tpu.memory_space<hbm>> -> memref<33280x128xf32, #tpu.memory_space<hbm>>
    tpu.wait_indirect_dma semaphore(%arg11 : memref<!tpu.dma_semaphore, #tpu.memory_space<semaphore_mem>>) src(%dma_wait3A_1013 : memref<33280x128xf32, #tpu.memory_space<hbm>>) dst(%arg9 : memref<128x128xf32, #tpu.memory_space<vmem>>)
    %add3A_1014 = arith.constant 896 : i32
    %add3A_1015 = arith.addi %add3A_75, %add3A_1014 : i32
    "tpu.region"() ({
      %run_scoped3A = tpu.sem_alloc : memref<!tpu.dma_semaphore, #tpu.memory_space<semaphore_mem>>
      %dma_start3A_1019 = arith.constant 0 : i32
      %dma_start3A_1020 = tpu.memref_slice %arg5[%select_n3A_54, %add3A_1015, %dma_start3A_1019] : memref<4x8193x128xf32, #tpu.memory_space<hbm>> -> memref<1x128x128xf32, #tpu.memory_space<hbm>>
      %dma_start3A_1021 = tpu.memref_squeeze %dma_start3A_1020 : memref<1x128x128xf32, #tpu.memory_space<hbm>> -> memref<128x128xf32, #tpu.memory_space<hbm>>
      %dma_start3A_1022 = arith.constant 0 : i32
      %dma_start3A_1023 = tpu.memref_slice %arg5[%select_n3A_54, %add3A_1015, %dma_start3A_1022] : memref<4x8193x128xf32, #tpu.memory_space<hbm>> -> memref<1x128x128xf32, #tpu.memory_space<hbm>>
      %dma_start3A_1024 = tpu.memref_squeeze %dma_start3A_1023 : memref<1x128x128xf32, #tpu.memory_space<hbm>> -> memref<128x128xf32, #tpu.memory_space<hbm>>
      tpu.enqueue_dma source(%arg9 : memref<128x128xf32, #tpu.memory_space<vmem>>) target(%dma_start3A_1024 : memref<128x128xf32, #tpu.memory_space<hbm>>) target_semaphore(%run_scoped3A : memref<!tpu.dma_semaphore, #tpu.memory_space<semaphore_mem>>)
      %dma_wait3A_1025 = arith.constant 0 : i32
      %dma_wait3A_1026 = tpu.memref_slice %arg5[%select_n3A_54, %add3A_1015, %dma_wait3A_1025] : memref<4x8193x128xf32, #tpu.memory_space<hbm>> -> memref<1x128x128xf32, #tpu.memory_space<hbm>>
      %dma_wait3A_1027 = tpu.memref_squeeze %dma_wait3A_1026 : memref<1x128x128xf32, #tpu.memory_space<hbm>> -> memref<128x128xf32, #tpu.memory_space<hbm>>
      %dma_wait3A_1028 = arith.constant 0 : i32
      %dma_wait3A_1029 = tpu.memref_slice %arg5[%select_n3A_54, %add3A_1015, %dma_wait3A_1028] : memref<4x8193x128xf32, #tpu.memory_space<hbm>> -> memref<1x128x128xf32, #tpu.memory_space<hbm>>
      %dma_wait3A_1030 = tpu.memref_squeeze %dma_wait3A_1029 : memref<1x128x128xf32, #tpu.memory_space<hbm>> -> memref<128x128xf32, #tpu.memory_space<hbm>>
      tpu.wait_dma2 semaphore(%run_scoped3A : memref<!tpu.dma_semaphore, #tpu.memory_space<semaphore_mem>>) src(%arg9 : memref<128x128xf32, #tpu.memory_space<vmem>>) dst(%dma_wait3A_1030 : memref<128x128xf32, #tpu.memory_space<hbm>>)
      tpu.yield
    }) : () -> ()
    %lt3A_1016 = arith.constant 4 : i32
    %lt3A_1017 = arith.cmpi slt, %add3A, %lt3A_1016 : i32
    %convert_element_type3A = arith.extui %lt3A_1017 : i1 to i32
    %cond3A = arith.constant 0 : i32
    %cond3A_1018 = arith.cmpi ne, %convert_element_type3A, %cond3A : i32
    scf.if %cond3A_1018 {
      "tpu.region"() ({
        %run_scoped3A = tpu.sem_alloc : memref<!tpu.dma_semaphore, #tpu.memory_space<semaphore_mem>>
        %dma_start3A_1019 = arith.constant 32769 : i32
        %dma_start3A_1020 = arith.constant 0 : i32
        %dma_start3A_1021 = tpu.memref_slice %arg2[%dma_start3A_1019, %dma_start3A_1020] : memref<33280x128xf32, #tpu.memory_space<hbm>> -> memref<1x128xf32, #tpu.memory_space<hbm>>
        %dma_start3A_1022 = arith.constant 32769 : i32
        %dma_start3A_1023 = arith.constant 0 : i32
        %dma_start3A_1024 = tpu.memref_slice %arg2[%dma_start3A_1022, %dma_start3A_1023] : memref<33280x128xf32, #tpu.memory_space<hbm>> -> memref<1x128xf32, #tpu.memory_space<hbm>>
        tpu.enqueue_dma source(%dma_start3A_1024 : memref<1x128xf32, #tpu.memory_space<hbm>>) target(%arg10 : memref<1x128xf32, #tpu.memory_space<vmem>>) target_semaphore(%run_scoped3A : memref<!tpu.dma_semaphore, #tpu.memory_space<semaphore_mem>>)
        %dma_wait3A_1025 = arith.constant 32769 : i32
        %dma_wait3A_1026 = arith.constant 0 : i32
        %dma_wait3A_1027 = tpu.memref_slice %arg2[%dma_wait3A_1025, %dma_wait3A_1026] : memref<33280x128xf32, #tpu.memory_space<hbm>> -> memref<1x128xf32, #tpu.memory_space<hbm>>
        %dma_wait3A_1028 = arith.constant 32769 : i32
        %dma_wait3A_1029 = arith.constant 0 : i32
        %dma_wait3A_1030 = tpu.memref_slice %arg2[%dma_wait3A_1028, %dma_wait3A_1029] : memref<33280x128xf32, #tpu.memory_space<hbm>> -> memref<1x128xf32, #tpu.memory_space<hbm>>
        tpu.wait_dma2 semaphore(%run_scoped3A : memref<!tpu.dma_semaphore, #tpu.memory_space<semaphore_mem>>) src(%dma_wait3A_1030 : memref<1x128xf32, #tpu.memory_space<hbm>>) dst(%arg10 : memref<1x128xf32, #tpu.memory_space<vmem>>)
        tpu.yield
      }) : () -> ()
      "tpu.region"() ({
        %run_scoped3A = tpu.sem_alloc : memref<!tpu.dma_semaphore, #tpu.memory_space<semaphore_mem>>
        %dma_start3A_1019 = arith.constant 8192 : i32
        %dma_start3A_1020 = arith.constant 0 : i32
        %dma_start3A_1021 = tpu.memref_slice %arg5[%add3A, %dma_start3A_1019, %dma_start3A_1020] : memref<4x8193x128xf32, #tpu.memory_space<hbm>> -> memref<1x1x128xf32, #tpu.memory_space<hbm>>
        %dma_start3A_1022 = tpu.memref_squeeze %dma_start3A_1021 : memref<1x1x128xf32, #tpu.memory_space<hbm>> -> memref<1x128xf32, #tpu.memory_space<hbm>>
        %dma_start3A_1023 = arith.constant 8192 : i32
        %dma_start3A_1024 = arith.constant 0 : i32
        %dma_start3A_1025 = tpu.memref_slice %arg5[%add3A, %dma_start3A_1023, %dma_start3A_1024] : memref<4x8193x128xf32, #tpu.memory_space<hbm>> -> memref<1x1x128xf32, #tpu.memory_space<hbm>>
        %dma_start3A_1026 = tpu.memref_squeeze %dma_start3A_1025 : memref<1x1x128xf32, #tpu.memory_space<hbm>> -> memref<1x128xf32, #tpu.memory_space<hbm>>
        tpu.enqueue_dma source(%arg10 : memref<1x128xf32, #tpu.memory_space<vmem>>) target(%dma_start3A_1026 : memref<1x128xf32, #tpu.memory_space<hbm>>) target_semaphore(%run_scoped3A : memref<!tpu.dma_semaphore, #tpu.memory_space<semaphore_mem>>)
        %dma_wait3A_1027 = arith.constant 8192 : i32
        %dma_wait3A_1028 = arith.constant 0 : i32
        %dma_wait3A_1029 = tpu.memref_slice %arg5[%add3A, %dma_wait3A_1027, %dma_wait3A_1028] : memref<4x8193x128xf32, #tpu.memory_space<hbm>> -> memref<1x1x128xf32, #tpu.memory_space<hbm>>
        %dma_wait3A_1030 = tpu.memref_squeeze %dma_wait3A_1029 : memref<1x1x128xf32, #tpu.memory_space<hbm>> -> memref<1x128xf32, #tpu.memory_space<hbm>>
        %dma_wait3A_1031 = arith.constant 8192 : i32
        %dma_wait3A_1032 = arith.constant 0 : i32
        %dma_wait3A_1033 = tpu.memref_slice %arg5[%add3A, %dma_wait3A_1031, %dma_wait3A_1032] : memref<4x8193x128xf32, #tpu.memory_space<hbm>> -> memref<1x1x128xf32, #tpu.memory_space<hbm>>
        %dma_wait3A_1034 = tpu.memref_squeeze %dma_wait3A_1033 : memref<1x1x128xf32, #tpu.memory_space<hbm>> -> memref<1x128xf32, #tpu.memory_space<hbm>>
        tpu.wait_dma2 semaphore(%run_scoped3A : memref<!tpu.dma_semaphore, #tpu.memory_space<semaphore_mem>>) src(%arg10 : memref<1x128xf32, #tpu.memory_space<vmem>>) dst(%dma_wait3A_1034 : memref<1x128xf32, #tpu.memory_space<hbm>>)
        tpu.yield
      }) : () -> ()
    } else {
    }
    return
  }
}

module attributes {stable_mosaic.version = 14 : i64} {
  func.func @_tc_body(%arg0: i32, %arg1: memref<512x128xf32, #tpu.memory_space<vmem>>, %arg2: memref<128x128xf32, #tpu.memory_space<vmem>>, %arg3: memref<1x128xf32, #tpu.memory_space<vmem>>, %arg4: memref<1x128xf32, #tpu.memory_space<vmem>>, %arg5: memref<4x8192xi32, #tpu.memory_space<vmem>>, %arg6: memref<512x128xf32, #tpu.memory_space<vmem>>, %arg7: memref<4x8193xi32, #tpu.memory_space<vmem>>, %arg8: memref<4x8193xi32, #tpu.memory_space<vmem>>) attributes {dimension_semantics = [#tpu.dimension_semantics<arbitrary>], iteration_bounds = array<i64: 65>, scalar_prefetch = 0 : i64, scratch_operands = 0 : i64, tpu.core_type = #tpu.core_type<tc>, window_params = [{transform_indices = @transform_0, window_bounds = array<i64: 512, 128>}, {pipeline_mode = #tpu.pipeline_mode<synchronous>, transform_indices = @transform_1, window_bounds = array<i64: 128, 128>}, {pipeline_mode = #tpu.pipeline_mode<synchronous>, transform_indices = @transform_2, window_bounds = array<i64: 1, 128>}, {pipeline_mode = #tpu.pipeline_mode<synchronous>, transform_indices = @transform_3, window_bounds = array<i64: 1, 128>}, {pipeline_mode = #tpu.pipeline_mode<synchronous>, transform_indices = @transform_4, window_bounds = array<i64: 4, 8192>}, {transform_indices = @transform_5, window_bounds = array<i64: 512, 128>}, {pipeline_mode = #tpu.pipeline_mode<synchronous>, transform_indices = @transform_6, window_bounds = array<i64: 4, 8193>}, {pipeline_mode = #tpu.pipeline_mode<synchronous>, transform_indices = @transform_7, window_bounds = array<i64: 4, 8193>}]} {
    %lt3A = arith.constant 64 : i32
    %lt3A_0 = arith.cmpi slt, %arg0, %lt3A : i32
    %convert_element_type3A = arith.extui %lt3A_0 : i1 to i32
    %cond3A = arith.constant 0 : i32
    %cond3A_1 = arith.cmpi ne, %convert_element_type3A, %cond3A : i32
    scf.if %cond3A_1 {
      %get3A = arith.constant 0 : index
      %get3A_11 = arith.constant 0 : index
      %get3A_12 = vector.load %arg1[%get3A, %get3A_11] : memref<512x128xf32, #tpu.memory_space<vmem>>, vector<512x128xf32>
      %get3A_13 = arith.constant 0 : index
      %get3A_14 = arith.constant 0 : index
      %get3A_15 = vector.load %arg2[%get3A_13, %get3A_14] : memref<128x128xf32, #tpu.memory_space<vmem>>, vector<128x128xf32>
      %dot_general3A = arith.constant dense<0.000000e+00> : vector<512x128xf32>
      %dot_general3A_16 = tpu.matmul %get3A_12, %get3A_15, %dot_general3A {dimension_numbers = #tpu.dot_dimension_numbers<[1], [0], [0], [1], [0, 0, 1, 1], [], []>, transpose_lhs_hint = false} : vector<512x128xf32>, vector<128x128xf32>, vector<512x128xf32> -> vector<512x128xf32>
      %get3A_17 = arith.constant 0 : index
      %get3A_18 = arith.constant 0 : index
      %get3A_19 = vector.load %arg3[%get3A_17, %get3A_18] : memref<1x128xf32, #tpu.memory_space<vmem>>, vector<1x128xf32>
      %add3A = vector.broadcast %get3A_19 : vector<1x128xf32> to vector<512x128xf32>
      %add3A_20 = arith.addf %dot_general3A_16, %add3A : vector<512x128xf32>
      %max3A = arith.constant 0.000000e+00 : f32
      %max3A_21 = vector.broadcast %max3A : f32 to vector<512x128xf32>
      %max3A_22 = arith.maximumf %add3A_20, %max3A_21 : vector<512x128xf32>
      %swap3A = arith.constant 0 : index
      %swap3A_23 = arith.constant 0 : index
      %swap3A_24 = vector.load %arg6[%swap3A, %swap3A_23] : memref<512x128xf32, #tpu.memory_space<vmem>>, vector<512x128xf32>
      tpu.vector_store %arg6[%swap3A, %swap3A_23], %max3A_22 {strides = array<i32>} : memref<512x128xf32, #tpu.memory_space<vmem>>, vector<512x128xf32>,
    } else {
    }
    %eq3A = arith.constant 64 : i32
    %eq3A_2 = arith.cmpi eq, %arg0, %eq3A : i32
    %convert_element_type3A_3 = arith.extui %eq3A_2 : i1 to i32
    %cond3A_4 = arith.constant 0 : i32
    %cond3A_5 = arith.cmpi ne, %convert_element_type3A_3, %cond3A_4 : i32
    scf.if %cond3A_5 {
      %iota3A = tpu.iota {dimensions = array<i32: 0>} : vector<512x128xi32>
      %get3A = arith.constant 0 : index
      %get3A_11 = arith.constant 0 : index
      %get3A_12 = vector.load %arg4[%get3A, %get3A_11] : memref<1x128xf32, #tpu.memory_space<vmem>>, vector<1x128xf32>
      %broadcast_in_dim3A = vector.shape_cast %get3A_12 : vector<1x128xf32> to vector<1x128xf32>
      %broadcast_in_dim3A_13 = vector.broadcast %broadcast_in_dim3A : vector<1x128xf32> to vector<512x128xf32>
      %eq3A_14 = arith.constant 1 : i32
      %eq3A_15 = vector.broadcast %eq3A_14 : i32 to vector<512x128xi32>
      %eq3A_16 = arith.cmpi eq, %iota3A, %eq3A_15 : vector<512x128xi32>
      %jit3A = arith.constant 0.000000e+00 : f32
      %broadcast_in_dim3A_17 = vector.broadcast %jit3A : f32 to vector<512x128xf32>
      %select_n3A = arith.select %eq3A_16, %broadcast_in_dim3A_13, %broadcast_in_dim3A_17 : vector<512x128xi1>, vector<512x128xf32>
      %swap3A = arith.constant 0 : index
      %swap3A_18 = arith.constant 0 : index
      %swap3A_19 = vector.load %arg6[%swap3A, %swap3A_18] : memref<512x128xf32, #tpu.memory_space<vmem>>, vector<512x128xf32>
      tpu.vector_store %arg6[%swap3A, %swap3A_18], %select_n3A {strides = array<i32>} : memref<512x128xf32, #tpu.memory_space<vmem>>, vector<512x128xf32>,
    } else {
    }
    %eq3A_6 = arith.constant 0 : i32
    %eq3A_7 = arith.cmpi eq, %arg0, %eq3A_6 : i32
    %convert_element_type3A_8 = arith.extui %eq3A_7 : i1 to i32
    %cond3A_9 = arith.constant 0 : i32
    %cond3A_10 = arith.cmpi ne, %convert_element_type3A_8, %cond3A_9 : i32
    scf.if %cond3A_10 {
      %get3A = arith.constant 0 : index
      %get3A_11 = arith.constant 0 : index
      %get3A_12 = vector.load %arg5[%get3A, %get3A_11] : memref<4x8192xi32, #tpu.memory_space<vmem>>, vector<4x8192xi32>
      %get3A_13 = arith.constant dense<0> : vector<4x8192xi32>
      %get3A_14 = arith.cmpi ne, %get3A_12, %get3A_13 : vector<4x8192xi32>
      %convert_element_type3A_15 = arith.extui %get3A_14 : vector<4x8192xi1> to vector<4x8192xi32>
      %reduce_sum3A = arith.constant dense<0> : vector<4xi32>
      %reduce_sum3A_16 = vector.multi_reduction <add>, %convert_element_type3A_15, %reduce_sum3A [1] : vector<4x8192xi32> to vector<4xi32>
      %broadcast_in_dim3A = vector.shape_cast %reduce_sum3A_16 : vector<4xi32> to vector<4x1xi32>
      %eq3A_17 = arith.constant 0 : i32
      %eq3A_18 = vector.broadcast %eq3A_17 : i32 to vector<4x1xi32>
      %eq3A_19 = arith.cmpi eq, %broadcast_in_dim3A, %eq3A_18 : vector<4x1xi32>
      %concatenate3A = tpu.concatenate %get3A_14, %eq3A_19 in 1 : vector<4x8192xi1>, vector<4x1xi1> -> vector<4x8193xi1>
      %swap3A = arith.constant 0 : index
      %swap3A_20 = arith.constant 0 : index
      %swap3A_21 = vector.load %arg7[%swap3A, %swap3A_20] : memref<4x8193xi32, #tpu.memory_space<vmem>>, vector<4x8193xi32>
      %swap3A_22 = arith.extui %concatenate3A : vector<4x8193xi1> to vector<4x8193xi32>
      %swap3A_23 = arith.constant dense<0> : vector<4x8193xi32>
      %swap3A_24 = arith.cmpi ne, %swap3A_21, %swap3A_23 : vector<4x8193xi32>
      tpu.vector_store %arg7[%swap3A, %swap3A_20], %swap3A_22 {strides = array<i32>} : memref<4x8193xi32, #tpu.memory_space<vmem>>, vector<4x8193xi32>,
      %not3A = arith.constant dense<true> : vector<4x8193xi1>
      %not3A_25 = arith.xori %concatenate3A, %not3A : vector<4x8193xi1>
      %swap3A_26 = arith.constant 0 : index
      %swap3A_27 = arith.constant 0 : index
      %swap3A_28 = vector.load %arg8[%swap3A_26, %swap3A_27] : memref<4x8193xi32, #tpu.memory_space<vmem>>, vector<4x8193xi32>
      %swap3A_29 = arith.extui %not3A_25 : vector<4x8193xi1> to vector<4x8193xi32>
      %swap3A_30 = arith.constant dense<0> : vector<4x8193xi32>
      %swap3A_31 = arith.cmpi ne, %swap3A_28, %swap3A_30 : vector<4x8193xi32>
      tpu.vector_store %arg8[%swap3A_26, %swap3A_27], %swap3A_29 {strides = array<i32>} : memref<4x8193xi32, #tpu.memory_space<vmem>>, vector<4x8193xi32>,
    } else {
    }
    return
  }
  func.func @transform_0(%arg0: i32) -> (i32, i32) {
    %min3A = arith.constant 63 : i32
    %min3A_0 = arith.minsi %arg0, %min3A : i32
    %c0_i32 = arith.constant 0 : i32
    %c0_i32_1 = arith.constant 0 : i32
    return %min3A_0, %c0_i32 : i32, i32
  }
  func.func @transform_1(%arg0: i32) -> (i32, i32) {
    %c0_i32 = arith.constant 0 : i32
    %c0_i32_0 = arith.constant 0 : i32
    %c0_i32_1 = arith.constant 0 : i32
    return %c0_i32, %c0_i32_0 : i32, i32
  }
  func.func @transform_2(%arg0: i32) -> (i32, i32) {
    %c0_i32 = arith.constant 0 : i32
    %c0_i32_0 = arith.constant 0 : i32
    %c0_i32_1 = arith.constant 0 : i32
    return %c0_i32, %c0_i32_0 : i32, i32
  }
  func.func @transform_3(%arg0: i32) -> (i32, i32) {
    %c0_i32 = arith.constant 0 : i32
    %c0_i32_0 = arith.constant 0 : i32
    %c0_i32_1 = arith.constant 0 : i32
    return %c0_i32, %c0_i32_0 : i32, i32
  }
  func.func @transform_4(%arg0: i32) -> (i32, i32) {
    %c0_i32 = arith.constant 0 : i32
    %c0_i32_0 = arith.constant 0 : i32
    %c0_i32_1 = arith.constant 0 : i32
    return %c0_i32, %c0_i32_0 : i32, i32
  }
  func.func @transform_5(%arg0: i32) -> (i32, i32) {
    %c0_i32 = arith.constant 0 : i32
    %c0_i32_0 = arith.constant 0 : i32
    return %arg0, %c0_i32 : i32, i32
  }
  func.func @transform_6(%arg0: i32) -> (i32, i32) {
    %c0_i32 = arith.constant 0 : i32
    %c0_i32_0 = arith.constant 0 : i32
    %c0_i32_1 = arith.constant 0 : i32
    return %c0_i32, %c0_i32_0 : i32, i32
  }
  func.func @transform_7(%arg0: i32) -> (i32, i32) {
    %c0_i32 = arith.constant 0 : i32
    %c0_i32_0 = arith.constant 0 : i32
    %c0_i32_1 = arith.constant 0 : i32
    return %c0_i32, %c0_i32_0 : i32, i32
  }
}

</mosaic_0001>

<sc_bundles>
// kernel: kernel.4.cloned.1.call-start
scs
__scs_entry_jumppad:
0x0: {  	(pc) =	sbr.rel $0x88, $3  }
0x1: {  	(tag) =	ssettag $0x0;
	lr =	simm.s32 $0x1  }
0x2: {  	[smem:$0x3F9C] =	sst lr;
	_ =	strace $0xD0000000  }
0x3: {  	_ = 	snop  }
0x4: {  	_ = 	snop  }
0x5: {  	_ = 	snop  }
0x6: {  	_ = 	snop  }
0x7: {  	_ = 	snop  }
__scs_overlays_trampoline_lowered:
0x8: {  	[smem:$0x3FAB] =	sst s0  }
0x9: {  	[smem:$0x3FAC] =	sst s1  }
0xa: {  	[smem:$0x3FAD] =	sst s2  }
0xb: {  	[smem:$0x3FAE] =	sst s3  }
0xc: {  	[smem:$0x3FAF] =	sst s4  }
0xd: {  	[smem:$0x3FB0] =	sst s5  }
0xe: {  	[smem:$0x3FB1] =	sst s6  }
0xf: {  	[smem:$0x3FB2] =	sst s7  }
0x10: {  	[smem:$0x3FB3] =	sst s8  }
0x11: {  	[smem:$0x3FB4] =	sst s9;
	s0 =	simm.s32 @!p0 $0x0  }
0x12: {  	s1 =	sld [smem:$0x3F9A];
	s0 =	simm.s32 @p0 $0x1  }
0x13: {  	[smem:$0x3FB5] =	sst s0;
	s0 =	simm.s32 @!p1 $0x0  }
0x14: {  	s2 =	sld [smem:$0x3F99];
	s0 =	simm.s32 @p1 $0x1  }
0x15: {  	[smem:$0x3FB6] =	sst s0;
	s0 =	simm.s32 @!p2 $0x0  }
0x16: {  	s3 =	sld [smem:$0x3FDB];
	s0 =	simm.s32 @p2 $0x1  }
0x17: {  	s4 =	simm.s32 $0x1BF5;
	[smem:$0x3FB8] =	sst s0  }
0x18: {  	s0 =	sld [smem:$0x3F9B];
	_ =	swait.ge [sflag:s4], $0x0  }
0x19: {  	s7 =	sld [smem:$0x3F9C]  }
0x1a: {  	s8 =	sadd.s32 $0xFFFFE003, lr  }
0x1b: {  	s9 =	sadd.s32 $0xFFFFFEF7, lr;
	s5 =	simm.s32 $0xFFFFFFFF;
	p2 =	slt.u32 s8, $0xFFFFF086  }
0x1c: {  	p1 =	slt.u32 s9, $0xF7A;
	s5 =	simm.s32 @!p2 $0x0  }
0x1d: {  	s5 =	simm.s32 @p1 $0x1;
	p0 =	seq.s32 s7, s2  }
0x1e: {  	s7 =	smul.u32 @!p0 $0xF7A, s2;
	p2 =	seq.s32 @!p0 s5, $0x0  }
0x1f: {  	s9 =	smul.u32 $0xF7A, s1;
	s8 =	simm.s32 @!p0 $0x1BF5;
	p2 =	por !p2, p0  }
0x20: {  	[sflag:s8] =	ssyncset.s32 @!p0 $0xFFFFF086;
	s6 =	sadd.s32 @!p0 s3, s7;
	s7 =	simm.s32 @!p0 $0x108  }
0x21: {  	s3 =	sadd.s32 s3, s9;
	s6 =	sadd.s32 @!p0 $0x88, s6;
	s7 =	simm.s32 @p2 $0x1082  }
0x22: {  	[simem:s7], [sflag:s8] =	dma.local @!p0 [hbm:s6], $0xF7A  }
0x23: {  	s9 =	sor.u32 $0xD0000000, s2;
	s6 =	simm.s32 $0x108;
	_ =	swait.ge @!p0 [sflag:s8], $0x0  }
0x24: {  	s3 =	sadd.s32 $0x88, s3;
	s6 =	simm.s32 @!p1 $0x1082;
	[sflag:s4] =	ssyncset.s32 $0xFFFFF086  }
0x25: {  	[simem:s6], [sflag:s4] =	dma.local [hbm:s3], $0xF7A  }
0x26: {  	[smem:$0x3F9C] =	sst s1;
	(tag) =	ssettag s2;
	_ =	strace s9  }
0x27: {  	s1 =	sld [smem:$0x3FAC]  }
0x28: {  	s2 =	sld [smem:$0x3FAD]  }
0x29: {  	s4 =	sld [smem:$0x3FAF]  }
0x2a: {  	p0 =	seq.s32 s5, $0x0;
	s5 =	sld [smem:$0x3FB0]  }
0x2b: {  	s6 =	sld [smem:$0x3FB1]  }
0x2c: {  	s7 =	sld [smem:$0x3FB2]  }
0x2d: {  	s3 =	simm.s32 $0x108;
	s8 =	sld [smem:$0x3FB3]  }
0x2e: {  	s3 =	simm.s32 @!p0 $0x1082;
	s9 =	sld [smem:$0x3FB4]  }
0x2f: {  	lr =	sadd.s32 s0, s3;
	s0 =	sld [smem:$0x3FAB]  }
0x30: {  	s3 =	sld [smem:$0x3FAE]  }
0x31: {  	[smem:$0x3FB7] =	sst s10  }
0x32: {  	s10 =	sld [smem:$0x3FB5];
	_ =	sdelay $0x3  }
0x33: {  	p0 =	seq.s32 s10, $0x1;
	s10 =	sld [smem:$0x3FB7];
	_ =	sdelay $0x3  }
0x34: {  	[smem:$0x3FB7] =	sst s10  }
0x35: {  	s10 =	sld [smem:$0x3FB6];
	_ =	sdelay $0x3  }
0x36: {  	p1 =	seq.s32 s10, $0x1;
	s10 =	sld [smem:$0x3FB7];
	_ =	sdelay $0x3  }
0x37: {  	[smem:$0x3FB7] =	sst s10  }
0x38: {  	s10 =	sld [smem:$0x3FB8]  }
0x39: {  	_ = 	snop;
	(pc) =	sbr.ind lr, $3  }
0x3a: {  	_ = 	snop  }
0x3b: {  	_ = 	snop  }
0x3c: {  	p2 =	seq.s32 s10, $0x1;
	s10 =	sld [smem:$0x3FB7]  }
0x3d: {  	_ =	shalt  }
0x3e: {  	_ =	shalt  }
0x3f: {  	_ =	shalt  }
0x40: {  	_ =	shalt  }
0x41: {  	_ =	shalt  }
0x42: {  	_ =	shalt  }
0x43: {  	_ =	shalt  }
0x44: {  	_ =	shalt  }
0x45: {  	_ =	shalt  }
0x46: {  	_ =	shalt  }
0x47: {  	_ =	shalt  }
0x48: {  	_ =	shalt  }
0x49: {  	_ =	shalt  }
0x4a: {  	_ =	shalt  }
0x4b: {  	_ =	shalt  }
0x4c: {  	_ =	shalt  }
0x4d: {  	_ =	shalt  }
0x4e: {  	_ =	shalt  }
0x4f: {  	_ =	shalt  }
0x50: {  	_ =	shalt  }
0x51: {  	_ =	shalt  }
0x52: {  	_ =	shalt  }
0x53: {  	_ =	shalt  }
0x54: {  	_ =	shalt  }
0x55: {  	_ =	shalt  }
0x56: {  	_ =	shalt  }
0x57: {  	_ =	shalt  }
0x58: {  	_ =	shalt  }
0x59: {  	_ =	shalt  }
0x5a: {  	_ =	shalt  }
0x5b: {  	_ =	shalt  }
0x5c: {  	_ =	shalt  }
0x5d: {  	_ =	shalt  }
0x5e: {  	_ =	shalt  }
0x5f: {  	_ =	shalt  }
0x60: {  	_ =	shalt  }
0x61: {  	_ =	shalt  }
0x62: {  	_ =	shalt  }
0x63: {  	_ =	shalt  }
0x64: {  	_ =	shalt  }
0x65: {  	_ =	shalt  }
0x66: {  	_ =	shalt  }
0x67: {  	_ =	shalt  }
0x68: {  	_ =	shalt  }
0x69: {  	_ =	shalt  }
0x6a: {  	_ =	shalt  }
0x6b: {  	_ =	shalt  }
0x6c: {  	_ =	shalt  }
0x6d: {  	_ =	shalt  }
0x6e: {  	_ =	shalt  }
0x6f: {  	_ =	shalt  }
0x70: {  	_ =	shalt  }
0x71: {  	_ =	shalt  }
0x72: {  	_ =	shalt  }
0x73: {  	_ =	shalt  }
0x74: {  	_ =	shalt  }
0x75: {  	_ =	shalt  }
0x76: {  	_ =	shalt  }
0x77: {  	_ =	shalt  }
0x78: {  	_ =	shalt  }
0x79: {  	_ =	shalt  }
0x7a: {  	_ =	shalt  }
0x7b: {  	_ =	shalt  }
0x7c: {  	_ =	shalt  }
0x7d: {  	_ =	shalt  }
0x7e: {  	_ =	shalt  }
0x7f: {  	_ =	shalt  }
0x80: {  	_ =	shalt  }
0x81: {  	_ =	shalt  }
0x82: {  	_ =	shalt  }
0x83: {  	_ =	shalt  }
0x84: {  	_ =	shalt  }
0x85: {  	_ =	shalt  }
0x86: {  	_ =	shalt  }
0x87: {  	_ =	shalt  }
.Lfunc_end0:
.L_simem_size_0:
called_computation_lowered:
.L_overlay_start_0:
0x88: {  	s2 =	sld [smem:$0x3FD9]  }
0x89: {  	s3 =	sld [smem:$0x3FFE];
	_ =	sdelay $0x1  }
0x8a: {  	s1 =	srdreg.scid  }
0x8b: {  	s0 =	sand.u32 $0x1, s1  }
0x8c: {  	s14 =	sshll.u32 s0, $0xA;
	s2 =	sadd.s32 s3, s2  }
0x8d: {  	s2 =	sadd.s32 s2, s14  }
0x8e: {  	[smem:$0x3FC3] =	sst s2  }
0x8f: {  	_ = 	snop  }
0x90: {  	s2 =	sld [smem:$0x3FD0];
	_ =	sdelay $0x2  }
0x91: {  	s15 =	simm.s32 $0xA;
	s4 =	simm.s32 $0x10  }
0x92: {  	[smem:s4], [sflag:s15] =	dma.local [hbm:s2], $0x1  }
0x93: {  	_ =	swait.eq [sflag:s15], $0x1  }
0x94: {  	[sflag:s15] =	ssyncset.done $0x0  }
0x95: {  	[sflag:s15] =	ssyncadd.s32 $0xFFFFFFFF  }
0x96: {  	s16 =	sld [smem:$0x10];
	(tm) =	ssettm $0x1  }
0x97: {  	s17 =	sld [smem:$0x3FFB];
	_ =	sdelay $0x3  }
0x98: {  	_ =	strace s17  }
0x99: {  	s3 =	sld [smem:$0x3FFC];
	_ =	sdelay $0x3  }
0x9a: {  	_ =	strace s3  }
0x9b: {  	s3 =	sld [smem:$0x3FFD];
	_ =	sdelay $0x3  }
0x9c: {  	_ =	strace s3  }
0x9d: {  	_ =	strace $0x8FFFFFFF  }
0x9e: {  	s18 =	sld [smem:$0x3FDB];
	_ =	sdelay $0x1  }
0x9f: {  	s19 =	simm.s32 $_scs_section_size  }
0xa0: {  	s5 =	simm.s32 $_size__tile_overlayer_lowered;
	s6 =	simm.s32 $_tile_overlayer_lowered  }
0xa1: {  	s22 =	simm.s32 $0x1BFF;
	s21 =	sshll.u32 s6, $0x1;
	s3 =	sadd.s32 s19, s18  }
0xa2: {  	s7 =	simm.s32 $0x0;
	s20 =	sshll.u32 s5, $0x1;
	s5 =	sadd.s32 s21, s3  }
0xa3: {  	[timem:s7], [sflag:s22] =	dma.local [hbm:s5], s20  }
0xa4: {  	_ =	swait.ge [sflag:s22], s20  }
0xa5: {  	s4 =	ssub.s32 $0x0, s20;
	[sflag:s22] =	ssyncset.done $0x0  }
0xa6: {  	[sflag:s22] =	ssyncadd.s32 s4;
	_ =	sdelay $0x1  }
0xa7: {  	s23 =	simm.s32 $0x1B8B  }
0xa8: {  	_ =	swait.ge [sflag:s23], $0x1  }
0xa9: {  	[sflag:s23] =	ssyncset.done $0x0  }
0xaa: {  	s25 =	simm.s32 $0x1B8E;
	s24 =	sld [smem:$0x3FFE];
	[sflag:s23] =	ssyncadd.s32 $0xFFFFFFFF  }
0xab: {  	s26 =	simm.s32 $execute0_lowered;
	[smem:$0x3FD2] =	sst s25  }
0xac: {  	s5 =	sshll.u32 s26, $0x1;
	_ =	strace $0x80000046;
	[dreg:$0x1] =	wrdreg $0xFFFFFFFF  }
0xad: {  	s28 =	simm.s32 $_size_execute0_lowered;
	s3 =	sadd.s32 s3, s5;
	[dreg:$0x0] =	wrdreg $0x0  }
0xae: {  	s5 =	sshll.u32 s28, $0x1;
	[dreg:$0x2] =	wrdreg s3  }
0xaf: {  	[dreg:$0x3] =	wrdreg s5  }
0xb0: {  	[dreg:$0x4] =	wrdreg $0xC0  }
0xb1: {  	_ =	task [dreg:s7], $0x5FFFF  }
0xb2: {  	[dreg:$0x1] =	wrdreg $0xFFFFFFFF  }
0xb3: {  	[dreg:$0x0] =	wrdreg $0x60  }
0xb4: {  	[dreg:$0x2] =	wrdreg s24  }
0xb5: {  	[dreg:$0x3] =	wrdreg s16  }
0xb6: {  	[dreg:$0x4] =	wrdreg $0x9  }
0xb7: {  	_ =	task.clear_ibuf [dreg:s7], $0x5FFFF;
	_ =	strace $0x90000046  }
0xb8: {  	s29 =	simm.s32 $0x9;
	_ =	strace $0x80000048  }
0xb9: {  	_ =	swait.ge [sflag:s29], $0x1  }
0xba: {  	[sflag:s29] =	ssyncadd.s32 $0xFFFFFFFF  }
0xbb: {  	_ =	strace $0x90000048  }
0xbc: {  	_ =	sfence  }
0xbd: {  	s30 =	sld [smem:$0x0];
	_ =	sdelay $0x2  }
0xbe: {  	s31 =	sshll.u32 s1, $0xD;
	s1 =	sshrl.u32 s1, $0x2  }
0xbf: {  	s3 =	sand.u32 $0x4000, s31;
	s1 =	sadd.s32 s1, s30  }
0xc0: {  	s0 =	sor.u32 s3, s0;
	s1 =	sshll.u32 s1, $0x11  }
0xc1: {  	s0 =	sor.u32 s1, s0  }
0xc2: {  	s0 =	sadd.s32 $0x8F2B, s0  }
0xc3: {  	[sflag:s0] =	ssyncadd.remote.s32 $0x1  }
0xc4: {  	_ =	sfence.sel $0xFFFF  }
0xc5: {  	[dreg:$0x0] =	wrdreg $0xFFFFFFFF;
	(pc) =	sbr.abs _section_cstart, $3  }
0xc6: {  	[dreg:$0x1] =	wrdreg $0xFFFFFFFF  }
0xc7: {  	_ =	task.clear_ibuf [dreg:s7], $0x2FFFF;
	_ =	strace $0x9FFFFFFF  }
0xc8: {  	(tm) =	ssettm $0x7FFFFFFF  }
0xc9: {  	_ =	shalt  }
tec
execute0_lowered:
.L_overlay_start_1:
0x0: {  	(tag) =	ssettag $0x1  }
0x1: {  	s1 =	srdreg.scid;
	s15 =	rddreg [dreg:$0x0]  }
0x2: {  	s0 =	stileid.u32;
	s2 =	rddreg [dreg:$0x1]  }
0x3: {  	s3 =	simm.s32 $0x0;
	s6 =	sand.u32 $0x1, s1;
	s11 =	sshll.u32 s0, $0x1  }
0x4: {  	s1 =	simm.s32 $0x1;
	[smem:$0x7FF] =	sst s3;
	s5 =	sadd.s32 $0x200, s15  }
0x5: {  	s16 =	sadd.s32 $0x82400, s15;
	s19 =	sor.u32 s6, s11;
	p1 =	seq.s32 s6, $0x1  }
0x6: {  	s9 =	ssub.s32 $0x2, s6;
	s18 =	sshll.u32 s6, $0xA;
	s6 =	simm.s32 $0x1  }
0x7: {  	p0 =	seq.s32 s19, $0x0;
	s10 =	sshrl.u32 s9, $0x1;
	s21 =	sor.u32 $0x10, s18  }
0x8: {  	s22 =	sor.u32 $0x20, s18;
	s23 =	sor.u32 $0x30, s18;
	s24 =	sor.u32 $0x40, s18  }
0x9: {  	s25 =	sor.u32 $0x50, s18;
	s19 =	smul.u32 $0x100400, s19;
	s28 =	sor.u32 $0x70, s18  }
0xa: {  	s29 =	sor.u32 $0x80, s18;
	s30 =	sor.u32 $0xB0, s18;
	s31 =	sor.u32 $0xE0, s18  }
0xb: {  	v0 =	vlaneseq.u32;
	p0 =	por !p0, !p1;
	s17 =	ssub.s32 s9, s10;
	s9 =	simm.s32 $0x1  }
0xc: {  	v2 =	vor.u32 s21, v0;
	v61 =	vor.u32 s22, v0;
	s21 =	sor.u32 $0x90, s18;
	s22 =	sor.u32 $0xA0, s18;
	v63 =	vor.u32 s24, v0;
	s24 =	sor.u32 $0xC0, s18  }
0xd: {  	v4 =	vor.u32 s25, v0;
	s25 =	sor.u32 $0xD0, s18;
	v6 =	vor.u32 s28, v0;
	v7 =	vor.u32 s29, v0;
	s28 =	sor.u32 $0x100, s18;
	s29 =	sor.u32 $0x110, s18  }
0xe: {  	v10 =	vor.u32 s30, v0;
	s30 =	sor.u32 $0x140, s18;
	v13 =	vor.u32 s31, v0;
	s31 =	sor.u32 $0x170, s18;
	p0 =	por !p0, !p0  }
0xf: {  	v8 =	vor.u32 s21, v0;
	v9 =	vor.u32 s22, v0;
	s21 =	sor.u32 $0x120, s18;
	s22 =	sor.u32 $0x130, s18;
	v11 =	vor.u32 s24, v0;
	s24 =	sor.u32 $0x150, s18  }
0x10: {  	v12 =	vor.u32 s25, v0;
	s25 =	sor.u32 $0x160, s18;
	v15 =	vor.u32 s28, v0;
	v16 =	vor.u32 s29, v0;
	s28 =	sor.u32 $0x190, s18;
	s29 =	sor.u32 $0x1A0, s18  }
0x11: {  	v19 =	vor.u32 s30, v0;
	s30 =	sor.u32 $0x1D0, s18;
	v22 =	vor.u32 s31, v0;
	s31 =	sor.u32 $0x200, s18;
	s19 =	sshrl.u32 s19, $0x3  }
0x12: {  	s17 =	smax.u32 s17, $0x1;
	s1 =	simm.s32 @!p0 $0x0;
	v17 =	vor.u32 s21, v0;
	s21 =	sor.u32 $0x1B0, s18  }
0x13: {  	v18 =	vor.u32 s22, v0;
	s22 =	sor.u32 $0x1C0, s18;
	v20 =	vor.u32 s24, v0;
	v21 =	vor.u32 s25, v0;
	s24 =	sor.u32 $0x1E0, s18;
	s25 =	sor.u32 $0x1F0, s18  }
0x14: {  	v24 =	vor.u32 s28, v0;
	v25 =	vor.u32 s29, v0;
	s28 =	sor.u32 $0x220, s18;
	s29 =	sor.u32 $0x230, s18;
	v28 =	vor.u32 s30, v0;
	s30 =	sor.u32 $0x260, s18  }
0x15: {  	v31 =	vor.u32 s31, v0;
	s31 =	sor.u32 $0x290, s18;
	s20 =	ssub.s32 s0, s1;
	s1 =	rddreg [dreg:$0x2]  }
0x16: {  	_ =	strace $0x80000047;
	v26 =	vor.u32 s21, v0;
	v27 =	vor.u32 s22, v0;
	s21 =	sor.u32 $0x240, s18;
	s22 =	sor.u32 $0x250, s18  }
0x17: {  	v29 =	vor.u32 s24, v0;
	v30 =	vor.u32 s25, v0;
	s24 =	sor.u32 $0x270, s18;
	s25 =	sor.u32 $0x280, s18;
	v33 =	vor.u32 s28, v0;
	s28 =	sor.u32 $0x2B0, s18  }
0x18: {  	v34 =	vor.u32 s29, v0;
	s29 =	sor.u32 $0x2C0, s18;
	v37 =	vor.u32 s30, v0;
	s30 =	sor.u32 $0x2F0, s18;
	s4 =	sand.u32 $0xC0, s20  }
0x19: {  	v40 =	vor.u32 s31, v0;
	s31 =	sor.u32 $0x320, s18;
	p5 =	slt.s32 s20, $0x1;
	s4 =	sshrl.u32 s4, $0x6  }
0x1a: {  	v35 =	vor.u32 s21, v0;
	v36 =	vor.u32 s22, v0;
	s21 =	sor.u32 $0x2D0, s18;
	s22 =	sor.u32 $0x2E0, s18;
	s7 =	sadd.s32 s4, s20  }
0x1b: {  	v38 =	vor.u32 s24, v0;
	v39 =	vor.u32 s25, v0;
	s24 =	sor.u32 $0x300, s18;
	s25 =	sor.u32 $0x310, s18;
	s8 =	sand.u32 $0xFFFFFFFC, s7  }
0x1c: {  	v42 =	vor.u32 s28, v0;
	v43 =	vor.u32 s29, v0;
	s28 =	sor.u32 $0x340, s18;
	s29 =	sor.u32 $0x350, s18;
	s8 =	ssub.s32 s20, s8  }
0x1d: {  	v46 =	vor.u32 s30, v0;
	s30 =	sor.u32 $0x380, s18;
	v49 =	vor.u32 s31, v0;
	s31 =	sor.u32 $0x3A0, s18;
	p6 =	sne.s32 s8, $0x0  }
0x1e: {  	v44 =	vor.u32 s21, v0;
	v45 =	vor.u32 s22, v0;
	s21 =	sor.u32 $0x360, s18;
	s22 =	sor.u32 $0x370, s18;
	p0 =	por !p5, !p6  }
0x1f: {  	v47 =	vor.u32 s24, v0;
	v48 =	vor.u32 s25, v0;
	s24 =	sor.u32 $0x390, s18;
	s25 =	sor.u32 $0x3B0, s18;
	p0 =	por !p0, !p0  }
0x20: {  	s7 =	sshrl.u32 s7, $0x2;
	s8 =	sshll.u32 s8, $0xB;
	s9 =	simm.s32 @!p0 $0x0  }
0x21: {  	v52 =	vor.u32 s29, v0;
	s29 =	sor.u32 $0x3D0, s18;
	s8 =	sand.u32 $0x1800, s8;
	s7 =	ssub.s32 s7, s9  }
0x22: {  	v55 =	vor.u32 s30, v0;
	s30 =	sor.u32 $0x3E0, s18;
	s8 =	sor.u32 s18, s8;
	s7 =	smul.u32 $0x100400, s7  }
0x23: {  	v57 =	vor.u32 s31, v0;
	s31 =	sor.u32 $0x3F0, s18;
	s4 =	sadd.s32 $0x400, s15;
	s8 =	sshll.u32 s8, $0x7  }
0x24: {  	v53 =	vor.u32 s21, v0;
	s15 =	sadd.s32 $0x80410, s15;
	s21 =	simm.s32 $0x180;
	s13 =	sadd.s32 s8, s7  }
0x25: {  	v1 =	vmov s20;
	s20 =	simm.s32 $0x100;
	s7 =	sshrl.u32 s13, $0x3;
	s8 =	sadd.s32 $0x4000, s13  }
0x26: {  	s12 =	sadd.s32 $0x8000, s13;
	s14 =	sadd.s32 $0xC000, s13;
	s11 =	sadd.s32 $0x10000, s13  }
0x27: {  	s26 =	sadd.s32 $0x1C000, s13;
	s10 =	sshrl.u32 s14, $0x3;
	s14 =	sadd.s32 $0x18000, s13  }
0x28: {  	s9 =	sshrl.u32 s12, $0x3;
	s12 =	sadd.s32 $0x14000, s13;
	s14 =	sshrl.u32 s14, $0x3  }
0x29: {  	s13 =	sadd.s32 s16, s14;
	s14 =	sshrl.u32 s26, $0x3;
	s26 =	sor.u32 $0x60, s18  }
0x2a: {  	p0 =	sgt.u32 s0, $0x1;
	s7 =	sadd.s32 s16, s7;
	v5 =	vor.u32 s26, v0;
	s26 =	sor.u32 $0xF0, s18  }
0x2b: {  	s8 =	sshrl.u32 s8, $0x3;
	s11 =	sshrl.u32 s11, $0x3;
	v14 =	vor.u32 s26, v0;
	s26 =	sor.u32 $0x180, s18  }
0x2c: {  	v58 =	vor.u32 s18, v0;
	v62 =	vor.u32 s23, v0;
	s8 =	sadd.s32 s16, s8;
	s9 =	sadd.s32 s16, s9;
	v23 =	vor.u32 s26, v0;
	s26 =	sor.u32 $0x210, s18  }
0x2d: {  	[tilespmem:$0x1FFC0] =	vst v2;
	v51 =	vor.u32 s28, v0;
	vm0 =	veq.s32 v1, v0;
	s10 =	sadd.s32 s16, s10;
	s12 =	sshrl.u32 s12, $0x3;
	v32 =	vor.u32 s26, v0;
	s26 =	sor.u32 $0x2A0, s18  }
0x2e: {  	[tilespmem:$0x1FFD0] =	vst v61;
	v54 =	vor.u32 s22, v0;
	v56 =	vor.u32 s24, v0;
	s11 =	sadd.s32 s16, s11;
	s12 =	sadd.s32 s16, s12;
	v41 =	vor.u32 s26, v0;
	s26 =	sor.u32 $0x330, s18  }
0x2f: {  	[tilespmem:$0x1FFE0] =	vst v62;
	v59 =	vor.u32 s25, v0;
	v61 =	vor.u32 s29, v0;
	s14 =	sadd.s32 s16, s14;
	s16 =	sadd.s32 s16, s19;
	v50 =	vor.u32 s26, v0;
	s26 =	sor.u32 $0x3C0, s18  }
0x30: {  	[tilespmem:$0x1FFF0] =	vst v63;
	v62 =	vor.u32 s30, v0;
	v63 =	vor.u32 s31, v0;
	s19 =	simm.s32 $0x80;
	s16 =	sadd.s32 $0x20000, s16;
	s18 =	simm.s32 $0x2;
	v60 =	vor.u32 s26, v0  }
.LBB2_1:
0x31: {  	[tilespmem:s3], [sflag:$0x2] =	stream.linear.gather [hbm4b:s2+s3], $0x80, $0x38;
	[tilespmem:$0x4200] =	vst v63  }
0x32: {  	_ =	swait.ge [sflag:s18], $0x80  }
0x33: {  	[sflag:s18] =	ssyncset.done $0x0  }
0x34: {  	[sflag:s18] =	ssyncadd.s32 $0xFFFFFF80  }
0x35: {  	[tilespmem:s19], [sflag:$0x2] =	stream.linear.gather [hbm4b:s5+s3], $0x80, $0x38;
	[tilespmem:$0x4200] =	vst v63  }
0x36: {  	_ =	swait.ge [sflag:s18], $0x80  }
0x37: {  	[sflag:s18] =	ssyncset.done $0x0  }
0x38: {  	[sflag:s18] =	ssyncadd.s32 $0xFFFFFF80  }
0x39: {  	v0 =	vld [tilespmem:$0x0]  }
0x3a: {  	v1 =	vld [tilespmem:$0x80];
	_ =	sdelay $0x3  }
0x3b: {  	v0 =	vnsel vm0, $0x0, v0  }
0x3c: {  	(xrf0) =	vadd.scan.msk.s32 $0xffff, v0;
	v0 =	vnsel vm0, $0x0, v1  }
0x3d: {  	(xrf0) =	vadd.scan.msk.s32 $0xffff, v0;
	_ =	sdelay $0x4  }
0x3e: {  	v3 =	vld [tilespmem:$0x1FFC0];
	v0, _, _ =	vpop (xrf0)  }
0x3f: {  	v2, _, _ =	vpop (xrf0)  }
0x40: {  	v1 =	vbroadcast v0, $0xF;
	v0 =	vbroadcast v2, $0xF;
	_ =	sdelay $0x1  }
0x41: {  	vm1 =	vlt.s32 v58, v1;
	v2 =	vadd.s32 v58, v0  }
0x42: {  	v2 =	vnsel vm1, $0x8000, v2;
	vm1 =	vlt.s32 v3, v1;
	v3 =	vadd.s32 v3, v0  }
0x43: {  	[tilespmem:$0x100] =	vst v2;
	v2 =	vnsel vm1, $0x8000, v3;
	v3 =	vld [tilespmem:$0x1FFD0];
	_ =	sdelay $0x4  }
0x44: {  	vm1 =	vlt.s32 v3, v1;
	v3 =	vadd.s32 v3, v0  }
0x45: {  	[tilespmem:$0x110] =	vst v2;
	v2 =	vnsel vm1, $0x8000, v3;
	v3 =	vld [tilespmem:$0x1FFE0];
	_ =	sdelay $0x4  }
0x46: {  	vm1 =	vlt.s32 v3, v1;
	v3 =	vadd.s32 v3, v0  }
0x47: {  	[tilespmem:$0x120] =	vst v2;
	v2 =	vnsel vm1, $0x8000, v3;
	v3 =	vld [tilespmem:$0x1FFF0];
	_ =	sdelay $0x4  }
0x48: {  	vm1 =	vlt.s32 v3, v1;
	v3 =	vadd.s32 v3, v0  }
0x49: {  	[tilespmem:$0x130] =	vst v2;
	v2 =	vnsel vm1, $0x8000, v3;
	vm1 =	vlt.s32 v4, v1;
	v3 =	vadd.s32 v4, v0  }
0x4a: {  	[tilespmem:$0x140] =	vst v2;
	v2 =	vnsel vm1, $0x8000, v3;
	vm1 =	vlt.s32 v5, v1;
	v3 =	vadd.s32 v5, v0  }
0x4b: {  	[tilespmem:$0x150] =	vst v2;
	v2 =	vnsel vm1, $0x8000, v3;
	vm1 =	vlt.s32 v6, v1;
	v3 =	vadd.s32 v6, v0  }
0x4c: {  	[tilespmem:$0x160] =	vst v2;
	v2 =	vnsel vm1, $0x8000, v3  }
0x4d: {  	[tilespmem:$0x170] =	vst v2  }
0x4e: {  	[tilespmem:s21], [sflag:$0x1] =	stream.indirect.gather [hbm4b:s4+s19], $0x80, s20, s19, $0xb8;
	[tilespmem:$0x4200] =	vst v63  }
0x4f: {  	_ =	swait.ge [sflag:s6], $0x4000  }
0x50: {  	[sflag:s6] =	ssyncset.done $0x0  }
0x51: {  	[sflag:s6] =	ssyncadd.s32 $0xFFFFC000  }
0x52: {  	[hbm4b:s7+s3] =	stream.linear.scatter [tilespmem:s21], [sflag:$0x2], $0x4000, $0x38;
	[tilespmem:$0x4200] =	vst v63  }
0x53: {  	_ =	swait.ge [sflag:s18], $0x4000  }
0x54: {  	vm1 =	vlt.s32 v7, v1;
	v2 =	vadd.s32 v7, v0;
	[sflag:s18] =	ssyncset.done $0x0  }
0x55: {  	v3 =	vadd.s32 v8, v0;
	v2 =	vnsel vm1, $0x8000, v2;
	vm1 =	vlt.s32 v8, v1;
	[sflag:s18] =	ssyncadd.s32 $0xFFFFC000  }
0x56: {  	[tilespmem:$0x100] =	vst v2;
	v2 =	vnsel vm1, $0x8000, v3;
	vm1 =	vlt.s32 v9, v1;
	v3 =	vadd.s32 v9, v0  }
0x57: {  	[tilespmem:$0x110] =	vst v2;
	v2 =	vnsel vm1, $0x8000, v3;
	vm1 =	vlt.s32 v10, v1;
	v3 =	vadd.s32 v10, v0  }
0x58: {  	[tilespmem:$0x120] =	vst v2;
	v2 =	vnsel vm1, $0x8000, v3;
	vm1 =	vlt.s32 v11, v1;
	v3 =	vadd.s32 v11, v0  }
0x59: {  	[tilespmem:$0x130] =	vst v2;
	v2 =	vnsel vm1, $0x8000, v3;
	vm1 =	vlt.s32 v12, v1;
	v3 =	vadd.s32 v12, v0  }
0x5a: {  	[tilespmem:$0x140] =	vst v2;
	v2 =	vnsel vm1, $0x8000, v3;
	vm1 =	vlt.s32 v13, v1;
	v3 =	vadd.s32 v13, v0  }
0x5b: {  	[tilespmem:$0x150] =	vst v2;
	v2 =	vnsel vm1, $0x8000, v3;
	vm1 =	vlt.s32 v14, v1;
	v3 =	vadd.s32 v14, v0  }
0x5c: {  	[tilespmem:$0x160] =	vst v2;
	v2 =	vnsel vm1, $0x8000, v3  }
0x5d: {  	[tilespmem:$0x170] =	vst v2  }
0x5e: {  	[tilespmem:s21], [sflag:$0x1] =	stream.indirect.gather [hbm4b:s4+s19], $0x80, s20, s19, $0xb8;
	[tilespmem:$0x4200] =	vst v63  }
0x5f: {  	_ =	swait.ge [sflag:s6], $0x4000  }
0x60: {  	[sflag:s6] =	ssyncset.done $0x0  }
0x61: {  	[sflag:s6] =	ssyncadd.s32 $0xFFFFC000  }
0x62: {  	[hbm4b:s8+s3] =	stream.linear.scatter [tilespmem:s21], [sflag:$0x2], $0x4000, $0x38;
	[tilespmem:$0x4200] =	vst v63  }
0x63: {  	_ =	swait.ge [sflag:s18], $0x4000  }
0x64: {  	vm1 =	vlt.s32 v15, v1;
	v2 =	vadd.s32 v15, v0;
	[sflag:s18] =	ssyncset.done $0x0  }
0x65: {  	v3 =	vadd.s32 v16, v0;
	v2 =	vnsel vm1, $0x8000, v2;
	vm1 =	vlt.s32 v16, v1;
	[sflag:s18] =	ssyncadd.s32 $0xFFFFC000  }
0x66: {  	[tilespmem:$0x100] =	vst v2;
	v2 =	vnsel vm1, $0x8000, v3;
	vm1 =	vlt.s32 v17, v1;
	v3 =	vadd.s32 v17, v0  }
0x67: {  	[tilespmem:$0x110] =	vst v2;
	v2 =	vnsel vm1, $0x8000, v3;
	vm1 =	vlt.s32 v18, v1;
	v3 =	vadd.s32 v18, v0  }
0x68: {  	[tilespmem:$0x120] =	vst v2;
	v2 =	vnsel vm1, $0x8000, v3;
	vm1 =	vlt.s32 v19, v1;
	v3 =	vadd.s32 v19, v0  }
0x69: {  	[tilespmem:$0x130] =	vst v2;
	v2 =	vnsel vm1, $0x8000, v3;
	vm1 =	vlt.s32 v20, v1;
	v3 =	vadd.s32 v20, v0  }
0x6a: {  	[tilespmem:$0x140] =	vst v2;
	v2 =	vnsel vm1, $0x8000, v3;
	vm1 =	vlt.s32 v21, v1;
	v3 =	vadd.s32 v21, v0  }
0x6b: {  	[tilespmem:$0x150] =	vst v2;
	v2 =	vnsel vm1, $0x8000, v3;
	vm1 =	vlt.s32 v22, v1;
	v3 =	vadd.s32 v22, v0  }
0x6c: {  	[tilespmem:$0x160] =	vst v2;
	v2 =	vnsel vm1, $0x8000, v3  }
0x6d: {  	[tilespmem:$0x170] =	vst v2  }
0x6e: {  	[tilespmem:s21], [sflag:$0x1] =	stream.indirect.gather [hbm4b:s4+s19], $0x80, s20, s19, $0xb8;
	[tilespmem:$0x4200] =	vst v63  }
0x6f: {  	_ =	swait.ge [sflag:s6], $0x4000  }
0x70: {  	[sflag:s6] =	ssyncset.done $0x0  }
0x71: {  	[sflag:s6] =	ssyncadd.s32 $0xFFFFC000  }
0x72: {  	[hbm4b:s9+s3] =	stream.linear.scatter [tilespmem:s21], [sflag:$0x2], $0x4000, $0x38;
	[tilespmem:$0x4200] =	vst v63  }
0x73: {  	_ =	swait.ge [sflag:s18], $0x4000  }
0x74: {  	vm1 =	vlt.s32 v23, v1;
	v2 =	vadd.s32 v23, v0;
	[sflag:s18] =	ssyncset.done $0x0  }
0x75: {  	v3 =	vadd.s32 v24, v0;
	v2 =	vnsel vm1, $0x8000, v2;
	vm1 =	vlt.s32 v24, v1;
	[sflag:s18] =	ssyncadd.s32 $0xFFFFC000  }
0x76: {  	[tilespmem:$0x100] =	vst v2;
	v2 =	vnsel vm1, $0x8000, v3;
	vm1 =	vlt.s32 v25, v1;
	v3 =	vadd.s32 v25, v0  }
0x77: {  	[tilespmem:$0x110] =	vst v2;
	v2 =	vnsel vm1, $0x8000, v3;
	vm1 =	vlt.s32 v26, v1;
	v3 =	vadd.s32 v26, v0  }
0x78: {  	[tilespmem:$0x120] =	vst v2;
	v2 =	vnsel vm1, $0x8000, v3;
	vm1 =	vlt.s32 v27, v1;
	v3 =	vadd.s32 v27, v0  }
0x79: {  	[tilespmem:$0x130] =	vst v2;
	v2 =	vnsel vm1, $0x8000, v3;
	vm1 =	vlt.s32 v28, v1;
	v3 =	vadd.s32 v28, v0  }
0x7a: {  	[tilespmem:$0x140] =	vst v2;
	v2 =	vnsel vm1, $0x8000, v3;
	vm1 =	vlt.s32 v29, v1;
	v3 =	vadd.s32 v29, v0  }
0x7b: {  	[tilespmem:$0x150] =	vst v2;
	v2 =	vnsel vm1, $0x8000, v3;
	vm1 =	vlt.s32 v30, v1;
	v3 =	vadd.s32 v30, v0  }
0x7c: {  	[tilespmem:$0x160] =	vst v2;
	v2 =	vnsel vm1, $0x8000, v3  }
0x7d: {  	[tilespmem:$0x170] =	vst v2  }
0x7e: {  	[tilespmem:s21], [sflag:$0x1] =	stream.indirect.gather [hbm4b:s4+s19], $0x80, s20, s19, $0xb8;
	[tilespmem:$0x4200] =	vst v63  }
0x7f: {  	_ =	swait.ge [sflag:s6], $0x4000  }
0x80: {  	[sflag:s6] =	ssyncset.done $0x0  }
0x81: {  	[sflag:s6] =	ssyncadd.s32 $0xFFFFC000  }
0x82: {  	[hbm4b:s10+s3] =	stream.linear.scatter [tilespmem:s21], [sflag:$0x2], $0x4000, $0x38;
	[tilespmem:$0x4200] =	vst v63  }
0x83: {  	_ =	swait.ge [sflag:s18], $0x4000  }
0x84: {  	vm1 =	vlt.s32 v31, v1;
	v2 =	vadd.s32 v31, v0;
	[sflag:s18] =	ssyncset.done $0x0  }
0x85: {  	v3 =	vadd.s32 v32, v0;
	v2 =	vnsel vm1, $0x8000, v2;
	vm1 =	vlt.s32 v32, v1;
	[sflag:s18] =	ssyncadd.s32 $0xFFFFC000  }
0x86: {  	[tilespmem:$0x100] =	vst v2;
	v2 =	vnsel vm1, $0x8000, v3;
	vm1 =	vlt.s32 v33, v1;
	v3 =	vadd.s32 v33, v0  }
0x87: {  	[tilespmem:$0x110] =	vst v2;
	v2 =	vnsel vm1, $0x8000, v3;
	vm1 =	vlt.s32 v34, v1;
	v3 =	vadd.s32 v34, v0  }
0x88: {  	[tilespmem:$0x120] =	vst v2;
	v2 =	vnsel vm1, $0x8000, v3;
	vm1 =	vlt.s32 v35, v1;
	v3 =	vadd.s32 v35, v0  }
0x89: {  	[tilespmem:$0x130] =	vst v2;
	v2 =	vnsel vm1, $0x8000, v3;
	vm1 =	vlt.s32 v36, v1;
	v3 =	vadd.s32 v36, v0  }
0x8a: {  	[tilespmem:$0x140] =	vst v2;
	v2 =	vnsel vm1, $0x8000, v3;
	vm1 =	vlt.s32 v37, v1;
	v3 =	vadd.s32 v37, v0  }
0x8b: {  	[tilespmem:$0x150] =	vst v2;
	v2 =	vnsel vm1, $0x8000, v3;
	vm1 =	vlt.s32 v38, v1;
	v3 =	vadd.s32 v38, v0  }
0x8c: {  	[tilespmem:$0x160] =	vst v2;
	v2 =	vnsel vm1, $0x8000, v3  }
0x8d: {  	[tilespmem:$0x170] =	vst v2  }
0x8e: {  	[tilespmem:s21], [sflag:$0x1] =	stream.indirect.gather [hbm4b:s4+s19], $0x80, s20, s19, $0xb8;
	[tilespmem:$0x4200] =	vst v63  }
0x8f: {  	_ =	swait.ge [sflag:s6], $0x4000  }
0x90: {  	[sflag:s6] =	ssyncset.done $0x0  }
0x91: {  	[sflag:s6] =	ssyncadd.s32 $0xFFFFC000  }
0x92: {  	[hbm4b:s11+s3] =	stream.linear.scatter [tilespmem:s21], [sflag:$0x2], $0x4000, $0x38;
	[tilespmem:$0x4200] =	vst v63  }
0x93: {  	_ =	swait.ge [sflag:s18], $0x4000  }
0x94: {  	vm1 =	vlt.s32 v39, v1;
	v2 =	vadd.s32 v39, v0;
	[sflag:s18] =	ssyncset.done $0x0  }
0x95: {  	v3 =	vadd.s32 v40, v0;
	v2 =	vnsel vm1, $0x8000, v2;
	vm1 =	vlt.s32 v40, v1;
	[sflag:s18] =	ssyncadd.s32 $0xFFFFC000  }
0x96: {  	[tilespmem:$0x100] =	vst v2;
	v2 =	vnsel vm1, $0x8000, v3;
	vm1 =	vlt.s32 v41, v1;
	v3 =	vadd.s32 v41, v0  }
0x97: {  	[tilespmem:$0x110] =	vst v2;
	v2 =	vnsel vm1, $0x8000, v3;
	vm1 =	vlt.s32 v42, v1;
	v3 =	vadd.s32 v42, v0  }
0x98: {  	[tilespmem:$0x120] =	vst v2;
	v2 =	vnsel vm1, $0x8000, v3;
	vm1 =	vlt.s32 v43, v1;
	v3 =	vadd.s32 v43, v0  }
0x99: {  	[tilespmem:$0x130] =	vst v2;
	v2 =	vnsel vm1, $0x8000, v3;
	vm1 =	vlt.s32 v44, v1;
	v3 =	vadd.s32 v44, v0  }
0x9a: {  	[tilespmem:$0x140] =	vst v2;
	v2 =	vnsel vm1, $0x8000, v3;
	vm1 =	vlt.s32 v45, v1;
	v3 =	vadd.s32 v45, v0  }
0x9b: {  	[tilespmem:$0x150] =	vst v2;
	v2 =	vnsel vm1, $0x8000, v3;
	vm1 =	vlt.s32 v46, v1;
	v3 =	vadd.s32 v46, v0  }
0x9c: {  	[tilespmem:$0x160] =	vst v2;
	v2 =	vnsel vm1, $0x8000, v3  }
0x9d: {  	[tilespmem:$0x170] =	vst v2  }
0x9e: {  	[tilespmem:s21], [sflag:$0x1] =	stream.indirect.gather [hbm4b:s4+s19], $0x80, s20, s19, $0xb8;
	[tilespmem:$0x4200] =	vst v63  }
0x9f: {  	_ =	swait.ge [sflag:s6], $0x4000  }
0xa0: {  	[sflag:s6] =	ssyncset.done $0x0  }
0xa1: {  	[sflag:s6] =	ssyncadd.s32 $0xFFFFC000  }
0xa2: {  	[hbm4b:s12+s3] =	stream.linear.scatter [tilespmem:s21], [sflag:$0x2], $0x4000, $0x38;
	[tilespmem:$0x4200] =	vst v63  }
0xa3: {  	_ =	swait.ge [sflag:s18], $0x4000  }
0xa4: {  	vm1 =	vlt.s32 v47, v1;
	v2 =	vadd.s32 v47, v0;
	[sflag:s18] =	ssyncset.done $0x0  }
0xa5: {  	v3 =	vadd.s32 v48, v0;
	v2 =	vnsel vm1, $0x8000, v2;
	vm1 =	vlt.s32 v48, v1;
	[sflag:s18] =	ssyncadd.s32 $0xFFFFC000  }
0xa6: {  	[tilespmem:$0x100] =	vst v2;
	v2 =	vnsel vm1, $0x8000, v3;
	vm1 =	vlt.s32 v49, v1;
	v3 =	vadd.s32 v49, v0  }
0xa7: {  	[tilespmem:$0x110] =	vst v2;
	v2 =	vnsel vm1, $0x8000, v3;
	vm1 =	vlt.s32 v50, v1;
	v3 =	vadd.s32 v50, v0  }
0xa8: {  	[tilespmem:$0x120] =	vst v2;
	v2 =	vnsel vm1, $0x8000, v3;
	vm1 =	vlt.s32 v51, v1;
	v3 =	vadd.s32 v51, v0  }
0xa9: {  	[tilespmem:$0x130] =	vst v2;
	v2 =	vnsel vm1, $0x8000, v3;
	vm1 =	vlt.s32 v52, v1;
	v3 =	vadd.s32 v52, v0  }
0xaa: {  	[tilespmem:$0x140] =	vst v2;
	v2 =	vnsel vm1, $0x8000, v3;
	vm1 =	vlt.s32 v53, v1;
	v3 =	vadd.s32 v53, v0  }
0xab: {  	[tilespmem:$0x150] =	vst v2;
	v2 =	vnsel vm1, $0x8000, v3;
	vm1 =	vlt.s32 v54, v1;
	v3 =	vadd.s32 v54, v0  }
0xac: {  	[tilespmem:$0x160] =	vst v2;
	v2 =	vnsel vm1, $0x8000, v3  }
0xad: {  	[tilespmem:$0x170] =	vst v2  }
0xae: {  	[tilespmem:s21], [sflag:$0x1] =	stream.indirect.gather [hbm4b:s4+s19], $0x80, s20, s19, $0xb8;
	[tilespmem:$0x4200] =	vst v63  }
0xaf: {  	_ =	swait.ge [sflag:s6], $0x4000  }
0xb0: {  	[sflag:s6] =	ssyncset.done $0x0  }
0xb1: {  	[sflag:s6] =	ssyncadd.s32 $0xFFFFC000  }
0xb2: {  	[hbm4b:s13+s3] =	stream.linear.scatter [tilespmem:s21], [sflag:$0x2], $0x4000, $0x38;
	[tilespmem:$0x4200] =	vst v63  }
0xb3: {  	_ =	swait.ge [sflag:s18], $0x4000  }
0xb4: {  	vm1 =	vlt.s32 v55, v1;
	v2 =	vadd.s32 v55, v0;
	[sflag:s18] =	ssyncset.done $0x0  }
0xb5: {  	v3 =	vadd.s32 v56, v0;
	v2 =	vnsel vm1, $0x8000, v2;
	vm1 =	vlt.s32 v56, v1;
	[sflag:s18] =	ssyncadd.s32 $0xFFFFC000  }
0xb6: {  	[tilespmem:$0x100] =	vst v2;
	v2 =	vnsel vm1, $0x8000, v3;
	vm1 =	vlt.s32 v57, v1;
	v3 =	vadd.s32 v57, v0  }
0xb7: {  	[tilespmem:$0x110] =	vst v2;
	v2 =	vnsel vm1, $0x8000, v3;
	vm1 =	vlt.s32 v59, v1;
	v3 =	vadd.s32 v59, v0  }
0xb8: {  	[tilespmem:$0x120] =	vst v2;
	v2 =	vnsel vm1, $0x8000, v3;
	vm1 =	vlt.s32 v60, v1;
	v3 =	vadd.s32 v60, v0  }
0xb9: {  	[tilespmem:$0x130] =	vst v2;
	v2 =	vnsel vm1, $0x8000, v3;
	vm1 =	vlt.s32 v61, v1;
	v3 =	vadd.s32 v61, v0  }
0xba: {  	[tilespmem:$0x140] =	vst v2;
	v2 =	vnsel vm1, $0x8000, v3;
	vm1 =	vlt.s32 v62, v1;
	v3 =	vadd.s32 v62, v0  }
0xbb: {  	vm2 =	vlt.s32 v63, v1;
	v0 =	vadd.s32 v63, v0;
	[tilespmem:$0x150] =	vst v2;
	v1 =	vnsel vm1, $0x8000, v3  }
0xbc: {  	v0 =	vnsel vm2, $0x8000, v0;
	[tilespmem:$0x160] =	vst v1  }
0xbd: {  	[tilespmem:$0x170] =	vst v0  }
0xbe: {  	[tilespmem:s21], [sflag:$0x1] =	stream.indirect.gather [hbm4b:s4+s19], $0x80, s20, s19, $0xb8;
	[tilespmem:$0x4200] =	vst v63  }
0xbf: {  	_ =	swait.ge [sflag:s6], $0x4000  }
0xc0: {  	[sflag:s6] =	ssyncset.done $0x0  }
0xc1: {  	[sflag:s6] =	ssyncadd.s32 $0xFFFFC000  }
0xc2: {  	[hbm4b:s14+s3] =	stream.linear.scatter [tilespmem:s21], [sflag:$0x2], $0x4000, $0x38;
	[tilespmem:$0x4200] =	vst v63  }
0xc3: {  	_ =	swait.ge [sflag:s18], $0x4000  }
0xc4: {  	s22 =	simm.s32 @!p0 $0x0;
	[sflag:s18] =	ssyncset.done $0x0  }
0xc5: {  	s23 =	simm.s32 @!p0 $0x4180;
	s24 =	simm.s32 @!p0 $0x2;
	[sflag:s18] =	ssyncadd.s32 $0xFFFFC000  }
0xc6: {  	[tilespmem:s23], [sflag:$0x2] =	stream.linear.gather @!p0 [hbm4b:s15+s22], $0x80, $0x38;
	[tilespmem:$0x4200] =	vst v63  }
0xc7: {  	s17 =	sadd.s32 $0xFFFFFFFF, s17;
	_ =	swait.ge @!p0 [sflag:s24], $0x80  }
0xc8: {  	p1 =	sne.s32 s17, $0x0;
	[sflag:s24] =	ssyncset.done @!p0 $0x0  }
.Ltmp0:
0xc9: {  	[sflag:s24] =	ssyncadd.s32 @!p0 $0xFFFFFF80;
	(pc) =	sbr.rel @p1 .LBB2_1-.Ltmp0, $4  }
0xca: {  	[hbm4b:s16+s22] =	stream.linear.scatter @!p0 [tilespmem:s23], [sflag:$0x2], $0x80, $0x38;
	[tilespmem:$0x4200] =	vst v63  }
0xcb: {  	_ =	swait.ge @!p0 [sflag:s24], $0x80  }
0xcc: {  	[sflag:s24] =	ssyncset.done @!p0 $0x0  }
0xcd: {  	[sflag:s24] =	ssyncadd.s32 @!p0 $0xFFFFFF80  }
0xce: {  	_ =	sfence.sel $0x180000  }
0xcf: {  	[bflag:$0x0] =	sbarrier.arrive $0xFFFF  }
0xd0: {  	p0 =	sne.s32 s0, $0x0;
	_ =	strace $0x90000047  }
0xd1: {  	s0 =	sadd.s32 @!p0 $0x100000, s1;
	[bflag:$0x2] =	sbarrier.arrive $0xFFFF  }
0xd2: {  	[sflag:s0] =	ssyncadd.tile.s32 @!p0 $0x1;
	_ =	shalt  }
.Lfunc_end2:
_tile_overlayer_lowered:
.L_overlay_start_2:
0xd3: {  	(tag) =	ssettag $0x2  }
0xd4: {  	s0 =	rddreg [dreg:$0x0];
	s2 =	stileid.u32  }
0xd5: {  	s1 =	rddreg [dreg:$0x1];
	p0 =	sne.s32 s2, $0x0  }
0xd6: {  	s3 =	rddreg [dreg:$0x2];
	[bflag:$0x3] =	sbarrier.arrive $0xFFFF;
	s2 =	simm.s32 @!p0 $0x1C02  }
0xd7: {  	[timem:s3], [sflag:s2] =	dma.local @!p0 [hbm:s0], s1  }
0xd8: {  	s0 =	simm.s32 @!p0 $0x2  }
0xd9: {  	_ =	swait.ge @!p0 [sflag:s0], s1  }
0xda: {  	s1 =	ssub.s32 @!p0 $0x0, s1;
	[sflag:s0] =	ssyncset.done @!p0 $0x0  }
0xdb: {  	[sflag:s0] =	ssyncadd.s32 @!p0 s1  }
0xdc: {  	[bflag:$0x3] =	sbarrier.arrive $0xFFFF  }
0xdd: {  	_ =	shalt  }

</sc_bundles>
